<compile_context>
chip_gen: v7x
topology: tpu7x:2x2x1
jax: 0.10.2.dev20260603
libtpu: 0.0.44.dev20260713+nightly
codegen_flags: <defaults>
</compile_context>

<pallas_src>
import functools

import jax
import jax.numpy as jnp
from jax import lax
from jax.experimental import pallas as pl
from jax.experimental.pallas import tpu as pltpu
from jax.experimental.pallas import tpu_sc as plsc

DIM = 64
NUM_CORES = 1
NUM_WORKERS = NUM_CORES * 16
GATHER_CHUNK = 128
BLOCK = 8192


def _sc_gather_packed(table, t):
    batch = t.shape[0]
    b_per_w = batch // NUM_WORKERS
    nchunks = b_per_w // GATHER_CHUNK
    mesh = plsc.VectorSubcoreMesh(
        core_axis_name="c", subcore_axis_name="s", num_cores=NUM_CORES
    )

    @functools.partial(
        pl.kernel,
        mesh=mesh,
        compiler_params=pltpu.CompilerParams(
            use_tc_tiling_on_sc=False, skip_device_barrier=True
        ),
        out_type=jax.ShapeDtypeStruct((batch // 2, 2 * DIM), jnp.float32),
        scratch_types=[
            pltpu.VMEM((b_per_w,), jnp.int32),
            pltpu.VMEM((b_per_w, DIM), jnp.float32),
            pltpu.SemaphoreType.DMA,
            pltpu.SemaphoreType.DMA,
            pltpu.SemaphoreType.DMA,
        ],
    )
    def gather_kernel(tab_hbm, t_hbm, out_hbm, idx_v, rows_v, sem_i, sem_g, sem_w):
        wid = lax.axis_index("s") * NUM_CORES + lax.axis_index("c")
        base = wid * b_per_w
        rowbase = 1024 * (base // 2048) + base % 1024
        colbase = DIM * ((base % 2048) // 1024)
        idx_copies = [
            pltpu.async_copy(
                t_hbm.at[pl.ds(base + j * GATHER_CHUNK, GATHER_CHUNK)],
                idx_v.at[pl.ds(j * GATHER_CHUNK, GATHER_CHUNK)],
                sem_i,
            )
            for j in range(nchunks)
        ]
        gathers = []
        for j in range(nchunks):
            idx_copies[j].wait()
            gathers.append(
                pltpu.async_copy(
                    tab_hbm.at[idx_v.at[pl.ds(j * GATHER_CHUNK, GATHER_CHUNK)]],
                    rows_v.at[pl.ds(j * GATHER_CHUNK, GATHER_CHUNK)],
                    sem_g,
                )
            )
        half = b_per_w // 2
        for j in range(nchunks // 2):
            gathers[j].wait()
        w0 = pltpu.async_copy(
            rows_v.at[pl.ds(0, half)],
            out_hbm.at[pl.ds(rowbase, half), pl.ds(colbase, DIM)],
            sem_w,
        )
        for j in range(nchunks // 2, nchunks):
            gathers[j].wait()
        w1 = pltpu.async_copy(
            rows_v.at[pl.ds(half, half)],
            out_hbm.at[pl.ds(rowbase + half, half), pl.ds(colbase, DIM)],
            sem_w,
        )
        w0.wait()
        w1.wait()

    return gather_kernel(table, t)


def _fused_body(xt_ref, g_ref, w_ref, b_ref, o_ref):
    xw = lax.dot_general(
        w_ref[:, :DIM], xt_ref[...],
        (((1,), (0,)), ((), ())),
        preferred_element_type=jnp.float32,
    )
    bias = b_ref[...]
    for sub in range(BLOCK // 2048):
        yev = lax.dot_general(
            w_ref[:, DIM:], g_ref[sub * 1024:(sub + 1) * 1024, :DIM],
            (((1,), (1,)), ((), ())),
            preferred_element_type=jnp.float32,
        )
        yod = lax.dot_general(
            w_ref[:, DIM:], g_ref[sub * 1024:(sub + 1) * 1024, DIM:],
            (((1,), (1,)), ((), ())),
            preferred_element_type=jnp.float32,
        )
        c0 = sub * 2048
        o_ref[:, c0:c0 + 1024] = xw[:, c0:c0 + 1024] + yev + bias
        o_ref[:, c0 + 1024:c0 + 2048] = xw[:, c0 + 1024:c0 + 2048] + yod + bias


def _fused_matmul_t(xt, g128, W, b_col):
    batch = xt.shape[1]
    grid = batch // BLOCK
    return pl.pallas_call(
        _fused_body,
        grid=(grid,),
        in_specs=[
            pl.BlockSpec((DIM, BLOCK), lambda i: (0, i)),
            pl.BlockSpec((BLOCK // 2, 2 * DIM), lambda i: (i, 0)),
            pl.BlockSpec((DIM, 2 * DIM), lambda i: (0, 0)),
            pl.BlockSpec((DIM, 1), lambda i: (0, 0)),
        ],
        out_specs=pl.BlockSpec((DIM, BLOCK), lambda i: (0, i)),
        out_shape=jax.ShapeDtypeStruct((DIM, batch), jnp.float32),
    )(xt, g128, W, b_col)


def kernel(x, t, time_embed, W, b):
    g128 = _sc_gather_packed(time_embed, t.astype(jnp.int32))
    out_t = _fused_matmul_t(
        jnp.transpose(x), g128, W, b.reshape(DIM, 1)
    )
    return jnp.transpose(out_t)

# --- scband reference (transcript-rebuilt; emitter-appended) ---
"""Pipeline reference for scband-tiny-denoiser-20143396619026 (READ-ONLY COPY).

The authoritative reference and input builder live on the scoring server;
editing this copy changes nothing except your own understanding.
"""

import jax, jax.numpy as jnp
import numpy as np

DIM = 64
NUM_TIMESTEPS = 1000
BATCH = 16384

def setup_inputs(seed: int = 0) -> dict:
    key = jax.random.key(seed)
    k_x, k_t, k_emb, k_w, k_b = jax.random.split(key, 5)
    x = jax.random.normal(k_x, (BATCH, DIM), dtype=jnp.float32)
    t = jax.random.randint(k_t, (BATCH,), 0, NUM_TIMESTEPS, dtype=jnp.int64 if jax.config.jax_enable_x64 else jnp.int32)
    # learned params: nn.Embedding(num_timesteps, dim) ~ N(0,1); nn.Linear(dim*2, dim)
    time_embed = jax.random.normal(k_emb, (NUM_TIMESTEPS, DIM), dtype=jnp.float32)
    bound = 1.0 / np.sqrt(DIM * 2)
    W = jax.random.uniform(k_w, (DIM, DIM * 2), dtype=jnp.float32, minval=-bound, maxval=bound)
    b = jax.random.uniform(k_b, (DIM,), dtype=jnp.float32, minval=-bound, maxval=bound)
    return {"x": x, "t": t, "time_embed": time_embed, "W": W, "b": b}

def reference(x, t, time_embed, W, b):
    # t_emb = self.time_embed(t)
    t_emb = jnp.take(time_embed, t, axis=0)
    # self.net(torch.cat([x, t_emb], dim=-1))
    h = jnp.concatenate([x, t_emb], axis=-1)
    return h @ W.T + b

if __name__ == "__main__":
    import jax
    _d = setup_inputs()
    print(jax.jit(kernel)(*tuple(_d.values())))

</pallas_src>

<mosaic_0001>
#map = affine_map<(d0, d1) -> (0, 0)>
#map1 = affine_map<(d0, d1) -> (0)>
module attributes {stable_mosaic.version = 14 : i64} {
  func.func @gather_kernel(%arg0: i32, %arg1: i32, %arg2: memref<1000x64xf32, #tpu.memory_space<hbm>>, %arg3: memref<16384xi32, #tpu.memory_space<hbm>>, %arg4: memref<8192x128xf32, #tpu.memory_space<hbm>>, %arg5: memref<1024xi32, #tpu.memory_space<vmem>>, %arg6: memref<1024x64xf32, #tpu.memory_space<vmem>>, %arg7: memref<!tpu.dma_semaphore, #tpu.memory_space<semaphore_mem>>, %arg8: memref<!tpu.dma_semaphore, #tpu.memory_space<semaphore_mem>>, %arg9: memref<!tpu.dma_semaphore, #tpu.memory_space<semaphore_mem>>) attributes {dimension_semantics = [#tpu.dimension_semantics<core_parallel>, #tpu.dimension_semantics<subcore_parallel>], iteration_bounds = array<i64: 1, 16>, scalar_prefetch = 0 : i64, scratch_operands = 5 : i64, tpu.core_type = #tpu.core_type<sc_vector_subcore>, window_params = [{transform_indices = #map}, {transform_indices = #map1}, {transform_indices = #map}]} {
    %mul3A = arith.constant 1 : i32
    %mul3A_0 = arith.muli %arg1, %mul3A : i32
    %add3A = arith.addi %mul3A_0, %arg0 : i32
    %mul3A_1 = arith.constant 1024 : i32
    %mul3A_2 = arith.muli %add3A, %mul3A_1 : i32
    %jit3A = arith.constant 2048 : i32
    %div3A = arith.divsi %mul3A_2, %jit3A : i32
    %sign3A = arith.constant 0 : i32
    %sign3A_3 = arith.cmpi sgt, %mul3A_2, %sign3A : i32
    %sign3A_4 = arith.extui %sign3A_3 : i1 to i32
    %sign3A_5 = arith.constant 0 : i32
    %sign3A_6 = arith.cmpi slt, %mul3A_2, %sign3A_5 : i32
    %sign3A_7 = arith.extui %sign3A_6 : i1 to i32
    %sign3A_8 = arith.subi %sign3A_4, %sign3A_7 : i32
    %sign3A_9 = arith.constant 0 : i32
    %sign3A_10 = arith.cmpi sgt, %jit3A, %sign3A_9 : i32
    %sign3A_11 = arith.extui %sign3A_10 : i1 to i32
    %sign3A_12 = arith.constant 0 : i32
    %sign3A_13 = arith.cmpi slt, %jit3A, %sign3A_12 : i32
    %sign3A_14 = arith.extui %sign3A_13 : i1 to i32
    %sign3A_15 = arith.subi %sign3A_11, %sign3A_14 : i32
    %ne3A = arith.cmpi ne, %sign3A_8, %sign3A_15 : i32
    %rem3A = arith.remsi %mul3A_2, %jit3A : i32
    %ne3A_16 = arith.constant 0 : i32
    %ne3A_17 = arith.cmpi ne, %rem3A, %ne3A_16 : i32
    %and3A = arith.andi %ne3A, %ne3A_17 : i1
    %sub3A = arith.constant 1 : i32
    %sub3A_18 = arith.subi %div3A, %sub3A : i32
    %select_n3A = arith.select %and3A, %sub3A_18, %div3A : i32
    %mul3A_19 = arith.constant 1024 : i32
    %mul3A_20 = arith.muli %mul3A_19, %select_n3A : i32
    %jit3A_21 = arith.constant 1024 : i32
    %eq3A = arith.constant 0 : i32
    %eq3A_22 = arith.cmpi eq, %jit3A_21, %eq3A : i32
    %jit3A_23 = arith.constant 1 : i32
    %select_n3A_24 = arith.select %eq3A_22, %jit3A_23, %jit3A_21 : i32
    %rem3A_25 = arith.remsi %mul3A_2, %select_n3A_24 : i32
    %ne3A_26 = arith.constant 0 : i32
    %ne3A_27 = arith.cmpi ne, %rem3A_25, %ne3A_26 : i32
    %lt3A = arith.constant 0 : i32
    %lt3A_28 = arith.cmpi slt, %rem3A_25, %lt3A : i32
    %lt3A_29 = arith.constant 0 : i32
    %lt3A_30 = arith.cmpi slt, %select_n3A_24, %lt3A_29 : i32
    %ne3A_31 = arith.xori %lt3A_28, %lt3A_30 : i1
    %and3A_32 = arith.andi %ne3A_31, %ne3A_27 : i1
    %add3A_33 = arith.addi %rem3A_25, %select_n3A_24 : i32
    %select_n3A_34 = arith.select %and3A_32, %add3A_33, %rem3A_25 : i32
    %add3A_35 = arith.addi %mul3A_20, %select_n3A_34 : i32
    %jit3A_36 = arith.constant 2048 : i32
    %eq3A_37 = arith.constant 0 : i32
    %eq3A_38 = arith.cmpi eq, %jit3A_36, %eq3A_37 : i32
    %jit3A_39 = arith.constant 1 : i32
    %select_n3A_40 = arith.select %eq3A_38, %jit3A_39, %jit3A_36 : i32
    %rem3A_41 = arith.remsi %mul3A_2, %select_n3A_40 : i32
    %ne3A_42 = arith.constant 0 : i32
    %ne3A_43 = arith.cmpi ne, %rem3A_41, %ne3A_42 : i32
    %lt3A_44 = arith.constant 0 : i32
    %lt3A_45 = arith.cmpi slt, %rem3A_41, %lt3A_44 : i32
    %lt3A_46 = arith.constant 0 : i32
    %lt3A_47 = arith.cmpi slt, %select_n3A_40, %lt3A_46 : i32
    %ne3A_48 = arith.xori %lt3A_45, %lt3A_47 : i1
    %and3A_49 = arith.andi %ne3A_48, %ne3A_43 : i1
    %add3A_50 = arith.addi %rem3A_41, %select_n3A_40 : i32
    %select_n3A_51 = arith.select %and3A_49, %add3A_50, %rem3A_41 : i32
    %jit3A_52 = arith.constant 1024 : i32
    %div3A_53 = arith.divsi %select_n3A_51, %jit3A_52 : i32
    %sign3A_54 = arith.constant 0 : i32
    %sign3A_55 = arith.cmpi sgt, %select_n3A_51, %sign3A_54 : i32
    %sign3A_56 = arith.extui %sign3A_55 : i1 to i32
    %sign3A_57 = arith.constant 0 : i32
    %sign3A_58 = arith.cmpi slt, %select_n3A_51, %sign3A_57 : i32
    %sign3A_59 = arith.extui %sign3A_58 : i1 to i32
    %sign3A_60 = arith.subi %sign3A_56, %sign3A_59 : i32
    %sign3A_61 = arith.constant 0 : i32
    %sign3A_62 = arith.cmpi sgt, %jit3A_52, %sign3A_61 : i32
    %sign3A_63 = arith.extui %sign3A_62 : i1 to i32
    %sign3A_64 = arith.constant 0 : i32
    %sign3A_65 = arith.cmpi slt, %jit3A_52, %sign3A_64 : i32
    %sign3A_66 = arith.extui %sign3A_65 : i1 to i32
    %sign3A_67 = arith.subi %sign3A_63, %sign3A_66 : i32
    %ne3A_68 = arith.cmpi ne, %sign3A_60, %sign3A_67 : i32
    %rem3A_69 = arith.remsi %select_n3A_51, %jit3A_52 : i32
    %ne3A_70 = arith.constant 0 : i32
    %ne3A_71 = arith.cmpi ne, %rem3A_69, %ne3A_70 : i32
    %and3A_72 = arith.andi %ne3A_68, %ne3A_71 : i1
    %sub3A_73 = arith.constant 1 : i32
    %sub3A_74 = arith.subi %div3A_53, %sub3A_73 : i32
    %select_n3A_75 = arith.select %and3A_72, %sub3A_74, %div3A_53 : i32
    %mul3A_76 = arith.constant 64 : i32
    %mul3A_77 = arith.muli %mul3A_76, %select_n3A_75 : i32
    %add3A_78 = arith.constant 0 : i32
    %add3A_79 = arith.addi %mul3A_2, %add3A_78 : i32
    %dma_start3A = arith.constant 0 : i32
    %dma_start3A_80 = tpu.memref_slice %arg5[%dma_start3A] : memref<1024xi32, #tpu.memory_space<vmem>> -> memref<128xi32, #tpu.memory_space<vmem>>
    %dma_start3A_81 = tpu.memref_slice %arg3[%add3A_79] : memref<16384xi32, #tpu.memory_space<hbm>> -> memref<128xi32, #tpu.memory_space<hbm>>
    %dma_start3A_82 = arith.constant 0 : i32
    %dma_start3A_83 = tpu.memref_slice %arg5[%dma_start3A_82] : memref<1024xi32, #tpu.memory_space<vmem>> -> memref<128xi32, #tpu.memory_space<vmem>>
    %dma_start3A_84 = tpu.memref_slice %arg3[%add3A_79] : memref<16384xi32, #tpu.memory_space<hbm>> -> memref<128xi32, #tpu.memory_space<hbm>>
    tpu.enqueue_dma source(%dma_start3A_84 : memref<128xi32, #tpu.memory_space<hbm>>) target(%dma_start3A_83 : memref<128xi32, #tpu.memory_space<vmem>>) target_semaphore(%arg7 : memref<!tpu.dma_semaphore, #tpu.memory_space<semaphore_mem>>)
    %add3A_85 = arith.constant 128 : i32
    %add3A_86 = arith.addi %mul3A_2, %add3A_85 : i32
    %dma_start3A_87 = arith.constant 128 : i32
    %dma_start3A_88 = tpu.memref_slice %arg5[%dma_start3A_87] : memref<1024xi32, #tpu.memory_space<vmem>> -> memref<128xi32, #tpu.memory_space<vmem>>
    %dma_start3A_89 = tpu.memref_slice %arg3[%add3A_86] : memref<16384xi32, #tpu.memory_space<hbm>> -> memref<128xi32, #tpu.memory_space<hbm>>
    %dma_start3A_90 = arith.constant 128 : i32
    %dma_start3A_91 = tpu.memref_slice %arg5[%dma_start3A_90] : memref<1024xi32, #tpu.memory_space<vmem>> -> memref<128xi32, #tpu.memory_space<vmem>>
    %dma_start3A_92 = tpu.memref_slice %arg3[%add3A_86] : memref<16384xi32, #tpu.memory_space<hbm>> -> memref<128xi32, #tpu.memory_space<hbm>>
    tpu.enqueue_dma source(%dma_start3A_92 : memref<128xi32, #tpu.memory_space<hbm>>) target(%dma_start3A_91 : memref<128xi32, #tpu.memory_space<vmem>>) target_semaphore(%arg7 : memref<!tpu.dma_semaphore, #tpu.memory_space<semaphore_mem>>)
    %add3A_93 = arith.constant 256 : i32
    %add3A_94 = arith.addi %mul3A_2, %add3A_93 : i32
    %dma_start3A_95 = arith.constant 256 : i32
    %dma_start3A_96 = tpu.memref_slice %arg5[%dma_start3A_95] : memref<1024xi32, #tpu.memory_space<vmem>> -> memref<128xi32, #tpu.memory_space<vmem>>
    %dma_start3A_97 = tpu.memref_slice %arg3[%add3A_94] : memref<16384xi32, #tpu.memory_space<hbm>> -> memref<128xi32, #tpu.memory_space<hbm>>
    %dma_start3A_98 = arith.constant 256 : i32
    %dma_start3A_99 = tpu.memref_slice %arg5[%dma_start3A_98] : memref<1024xi32, #tpu.memory_space<vmem>> -> memref<128xi32, #tpu.memory_space<vmem>>
    %dma_start3A_100 = tpu.memref_slice %arg3[%add3A_94] : memref<16384xi32, #tpu.memory_space<hbm>> -> memref<128xi32, #tpu.memory_space<hbm>>
    tpu.enqueue_dma source(%dma_start3A_100 : memref<128xi32, #tpu.memory_space<hbm>>) target(%dma_start3A_99 : memref<128xi32, #tpu.memory_space<vmem>>) target_semaphore(%arg7 : memref<!tpu.dma_semaphore, #tpu.memory_space<semaphore_mem>>)
    %add3A_101 = arith.constant 384 : i32
    %add3A_102 = arith.addi %mul3A_2, %add3A_101 : i32
    %dma_start3A_103 = arith.constant 384 : i32
    %dma_start3A_104 = tpu.memref_slice %arg5[%dma_start3A_103] : memref<1024xi32, #tpu.memory_space<vmem>> -> memref<128xi32, #tpu.memory_space<vmem>>
    %dma_start3A_105 = tpu.memref_slice %arg3[%add3A_102] : memref<16384xi32, #tpu.memory_space<hbm>> -> memref<128xi32, #tpu.memory_space<hbm>>
    %dma_start3A_106 = arith.constant 384 : i32
    %dma_start3A_107 = tpu.memref_slice %arg5[%dma_start3A_106] : memref<1024xi32, #tpu.memory_space<vmem>> -> memref<128xi32, #tpu.memory_space<vmem>>
    %dma_start3A_108 = tpu.memref_slice %arg3[%add3A_102] : memref<16384xi32, #tpu.memory_space<hbm>> -> memref<128xi32, #tpu.memory_space<hbm>>
    tpu.enqueue_dma source(%dma_start3A_108 : memref<128xi32, #tpu.memory_space<hbm>>) target(%dma_start3A_107 : memref<128xi32, #tpu.memory_space<vmem>>) target_semaphore(%arg7 : memref<!tpu.dma_semaphore, #tpu.memory_space<semaphore_mem>>)
    %add3A_109 = arith.constant 512 : i32
    %add3A_110 = arith.addi %mul3A_2, %add3A_109 : i32
    %dma_start3A_111 = arith.constant 512 : i32
    %dma_start3A_112 = tpu.memref_slice %arg5[%dma_start3A_111] : memref<1024xi32, #tpu.memory_space<vmem>> -> memref<128xi32, #tpu.memory_space<vmem>>
    %dma_start3A_113 = tpu.memref_slice %arg3[%add3A_110] : memref<16384xi32, #tpu.memory_space<hbm>> -> memref<128xi32, #tpu.memory_space<hbm>>
    %dma_start3A_114 = arith.constant 512 : i32
    %dma_start3A_115 = tpu.memref_slice %arg5[%dma_start3A_114] : memref<1024xi32, #tpu.memory_space<vmem>> -> memref<128xi32, #tpu.memory_space<vmem>>
    %dma_start3A_116 = tpu.memref_slice %arg3[%add3A_110] : memref<16384xi32, #tpu.memory_space<hbm>> -> memref<128xi32, #tpu.memory_space<hbm>>
    tpu.enqueue_dma source(%dma_start3A_116 : memref<128xi32, #tpu.memory_space<hbm>>) target(%dma_start3A_115 : memref<128xi32, #tpu.memory_space<vmem>>) target_semaphore(%arg7 : memref<!tpu.dma_semaphore, #tpu.memory_space<semaphore_mem>>)
    %add3A_117 = arith.constant 640 : i32
    %add3A_118 = arith.addi %mul3A_2, %add3A_117 : i32
    %dma_start3A_119 = arith.constant 640 : i32
    %dma_start3A_120 = tpu.memref_slice %arg5[%dma_start3A_119] : memref<1024xi32, #tpu.memory_space<vmem>> -> memref<128xi32, #tpu.memory_space<vmem>>
    %dma_start3A_121 = tpu.memref_slice %arg3[%add3A_118] : memref<16384xi32, #tpu.memory_space<hbm>> -> memref<128xi32, #tpu.memory_space<hbm>>
    %dma_start3A_122 = arith.constant 640 : i32
    %dma_start3A_123 = tpu.memref_slice %arg5[%dma_start3A_122] : memref<1024xi32, #tpu.memory_space<vmem>> -> memref<128xi32, #tpu.memory_space<vmem>>
    %dma_start3A_124 = tpu.memref_slice %arg3[%add3A_118] : memref<16384xi32, #tpu.memory_space<hbm>> -> memref<128xi32, #tpu.memory_space<hbm>>
    tpu.enqueue_dma source(%dma_start3A_124 : memref<128xi32, #tpu.memory_space<hbm>>) target(%dma_start3A_123 : memref<128xi32, #tpu.memory_space<vmem>>) target_semaphore(%arg7 : memref<!tpu.dma_semaphore, #tpu.memory_space<semaphore_mem>>)
    %add3A_125 = arith.constant 768 : i32
    %add3A_126 = arith.addi %mul3A_2, %add3A_125 : i32
    %dma_start3A_127 = arith.constant 768 : i32
    %dma_start3A_128 = tpu.memref_slice %arg5[%dma_start3A_127] : memref<1024xi32, #tpu.memory_space<vmem>> -> memref<128xi32, #tpu.memory_space<vmem>>
    %dma_start3A_129 = tpu.memref_slice %arg3[%add3A_126] : memref<16384xi32, #tpu.memory_space<hbm>> -> memref<128xi32, #tpu.memory_space<hbm>>
    %dma_start3A_130 = arith.constant 768 : i32
    %dma_start3A_131 = tpu.memref_slice %arg5[%dma_start3A_130] : memref<1024xi32, #tpu.memory_space<vmem>> -> memref<128xi32, #tpu.memory_space<vmem>>
    %dma_start3A_132 = tpu.memref_slice %arg3[%add3A_126] : memref<16384xi32, #tpu.memory_space<hbm>> -> memref<128xi32, #tpu.memory_space<hbm>>
    tpu.enqueue_dma source(%dma_start3A_132 : memref<128xi32, #tpu.memory_space<hbm>>) target(%dma_start3A_131 : memref<128xi32, #tpu.memory_space<vmem>>) target_semaphore(%arg7 : memref<!tpu.dma_semaphore, #tpu.memory_space<semaphore_mem>>)
    %add3A_133 = arith.constant 896 : i32
    %add3A_134 = arith.addi %mul3A_2, %add3A_133 : i32
    %dma_start3A_135 = arith.constant 896 : i32
    %dma_start3A_136 = tpu.memref_slice %arg5[%dma_start3A_135] : memref<1024xi32, #tpu.memory_space<vmem>> -> memref<128xi32, #tpu.memory_space<vmem>>
    %dma_start3A_137 = tpu.memref_slice %arg3[%add3A_134] : memref<16384xi32, #tpu.memory_space<hbm>> -> memref<128xi32, #tpu.memory_space<hbm>>
    %dma_start3A_138 = arith.constant 896 : i32
    %dma_start3A_139 = tpu.memref_slice %arg5[%dma_start3A_138] : memref<1024xi32, #tpu.memory_space<vmem>> -> memref<128xi32, #tpu.memory_space<vmem>>
    %dma_start3A_140 = tpu.memref_slice %arg3[%add3A_134] : memref<16384xi32, #tpu.memory_space<hbm>> -> memref<128xi32, #tpu.memory_space<hbm>>
    tpu.enqueue_dma source(%dma_start3A_140 : memref<128xi32, #tpu.memory_space<hbm>>) target(%dma_start3A_139 : memref<128xi32, #tpu.memory_space<vmem>>) target_semaphore(%arg7 : memref<!tpu.dma_semaphore, #tpu.memory_space<semaphore_mem>>)
    %dma_wait3A = arith.constant 0 : i32
    %dma_wait3A_141 = tpu.memref_slice %arg5[%dma_wait3A] : memref<1024xi32, #tpu.memory_space<vmem>> -> memref<128xi32, #tpu.memory_space<vmem>>
    %dma_wait3A_142 = tpu.memref_slice %arg3[%add3A_79] : memref<16384xi32, #tpu.memory_space<hbm>> -> memref<128xi32, #tpu.memory_space<hbm>>
    %dma_wait3A_143 = arith.constant 0 : i32
    %dma_wait3A_144 = tpu.memref_slice %arg5[%dma_wait3A_143] : memref<1024xi32, #tpu.memory_space<vmem>> -> memref<128xi32, #tpu.memory_space<vmem>>
    %dma_wait3A_145 = tpu.memref_slice %arg3[%add3A_79] : memref<16384xi32, #tpu.memory_space<hbm>> -> memref<128xi32, #tpu.memory_space<hbm>>
    tpu.wait_dma2 semaphore(%arg7 : memref<!tpu.dma_semaphore, #tpu.memory_space<semaphore_mem>>) src(%dma_wait3A_145 : memref<128xi32, #tpu.memory_space<hbm>>) dst(%dma_wait3A_144 : memref<128xi32, #tpu.memory_space<vmem>>)
    %dma_start3A_146 = arith.constant 0 : i32
    %dma_start3A_147 = arith.constant 0 : i32
    %dma_start3A_148 = tpu.memref_slice %arg6[%dma_start3A_146, %dma_start3A_147] : memref<1024x64xf32, #tpu.memory_space<vmem>> -> memref<128x64xf32, #tpu.memory_space<vmem>>
    %dma_start3A_149 = arith.constant 0 : i32
    %dma_start3A_150 = tpu.memref_slice %arg5[%dma_start3A_149] : memref<1024xi32, #tpu.memory_space<vmem>> -> memref<128xi32, #tpu.memory_space<vmem>>
    %dma_start3A_151 = arith.constant 0 : i32
    %dma_start3A_152 = arith.constant 0 : i32
    %dma_start3A_153 = tpu.memref_slice %arg2[%dma_start3A_151, %dma_start3A_152] : memref<1000x64xf32, #tpu.memory_space<hbm>> -> memref<1000x64xf32, #tpu.memory_space<hbm>>
    tpu.enqueue_indirect_dma source(%dma_start3A_153 : memref<1000x64xf32, #tpu.memory_space<hbm>>) target(%dma_start3A_148 : memref<128x64xf32, #tpu.memory_space<vmem>>) offsets(%dma_start3A_150 : memref<128xi32, #tpu.memory_space<vmem>>) semaphore(%arg8 : memref<!tpu.dma_semaphore, #tpu.memory_space<semaphore_mem>>)
    %dma_wait3A_154 = arith.constant 128 : i32
    %dma_wait3A_155 = tpu.memref_slice %arg5[%dma_wait3A_154] : memref<1024xi32, #tpu.memory_space<vmem>> -> memref<128xi32, #tpu.memory_space<vmem>>
    %dma_wait3A_156 = tpu.memref_slice %arg3[%add3A_86] : memref<16384xi32, #tpu.memory_space<hbm>> -> memref<128xi32, #tpu.memory_space<hbm>>
    %dma_wait3A_157 = arith.constant 128 : i32
    %dma_wait3A_158 = tpu.memref_slice %arg5[%dma_wait3A_157] : memref<1024xi32, #tpu.memory_space<vmem>> -> memref<128xi32, #tpu.memory_space<vmem>>
    %dma_wait3A_159 = tpu.memref_slice %arg3[%add3A_86] : memref<16384xi32, #tpu.memory_space<hbm>> -> memref<128xi32, #tpu.memory_space<hbm>>
    tpu.wait_dma2 semaphore(%arg7 : memref<!tpu.dma_semaphore, #tpu.memory_space<semaphore_mem>>) src(%dma_wait3A_159 : memref<128xi32, #tpu.memory_space<hbm>>) dst(%dma_wait3A_158 : memref<128xi32, #tpu.memory_space<vmem>>)
    %dma_start3A_160 = arith.constant 128 : i32
    %dma_start3A_161 = arith.constant 0 : i32
    %dma_start3A_162 = tpu.memref_slice %arg6[%dma_start3A_160, %dma_start3A_161] : memref<1024x64xf32, #tpu.memory_space<vmem>> -> memref<128x64xf32, #tpu.memory_space<vmem>>
    %dma_start3A_163 = arith.constant 128 : i32
    %dma_start3A_164 = tpu.memref_slice %arg5[%dma_start3A_163] : memref<1024xi32, #tpu.memory_space<vmem>> -> memref<128xi32, #tpu.memory_space<vmem>>
    %dma_start3A_165 = arith.constant 0 : i32
    %dma_start3A_166 = arith.constant 0 : i32
    %dma_start3A_167 = tpu.memref_slice %arg2[%dma_start3A_165, %dma_start3A_166] : memref<1000x64xf32, #tpu.memory_space<hbm>> -> memref<1000x64xf32, #tpu.memory_space<hbm>>
    tpu.enqueue_indirect_dma source(%dma_start3A_167 : memref<1000x64xf32, #tpu.memory_space<hbm>>) target(%dma_start3A_162 : memref<128x64xf32, #tpu.memory_space<vmem>>) offsets(%dma_start3A_164 : memref<128xi32, #tpu.memory_space<vmem>>) semaphore(%arg8 : memref<!tpu.dma_semaphore, #tpu.memory_space<semaphore_mem>>)
    %dma_wait3A_168 = arith.constant 256 : i32
    %dma_wait3A_169 = tpu.memref_slice %arg5[%dma_wait3A_168] : memref<1024xi32, #tpu.memory_space<vmem>> -> memref<128xi32, #tpu.memory_space<vmem>>
    %dma_wait3A_170 = tpu.memref_slice %arg3[%add3A_94] : memref<16384xi32, #tpu.memory_space<hbm>> -> memref<128xi32, #tpu.memory_space<hbm>>
    %dma_wait3A_171 = arith.constant 256 : i32
    %dma_wait3A_172 = tpu.memref_slice %arg5[%dma_wait3A_171] : memref<1024xi32, #tpu.memory_space<vmem>> -> memref<128xi32, #tpu.memory_space<vmem>>
    %dma_wait3A_173 = tpu.memref_slice %arg3[%add3A_94] : memref<16384xi32, #tpu.memory_space<hbm>> -> memref<128xi32, #tpu.memory_space<hbm>>
    tpu.wait_dma2 semaphore(%arg7 : memref<!tpu.dma_semaphore, #tpu.memory_space<semaphore_mem>>) src(%dma_wait3A_173 : memref<128xi32, #tpu.memory_space<hbm>>) dst(%dma_wait3A_172 : memref<128xi32, #tpu.memory_space<vmem>>)
    %dma_start3A_174 = arith.constant 256 : i32
    %dma_start3A_175 = arith.constant 0 : i32
    %dma_start3A_176 = tpu.memref_slice %arg6[%dma_start3A_174, %dma_start3A_175] : memref<1024x64xf32, #tpu.memory_space<vmem>> -> memref<128x64xf32, #tpu.memory_space<vmem>>
    %dma_start3A_177 = arith.constant 256 : i32
    %dma_start3A_178 = tpu.memref_slice %arg5[%dma_start3A_177] : memref<1024xi32, #tpu.memory_space<vmem>> -> memref<128xi32, #tpu.memory_space<vmem>>
    %dma_start3A_179 = arith.constant 0 : i32
    %dma_start3A_180 = arith.constant 0 : i32
    %dma_start3A_181 = tpu.memref_slice %arg2[%dma_start3A_179, %dma_start3A_180] : memref<1000x64xf32, #tpu.memory_space<hbm>> -> memref<1000x64xf32, #tpu.memory_space<hbm>>
    tpu.enqueue_indirect_dma source(%dma_start3A_181 : memref<1000x64xf32, #tpu.memory_space<hbm>>) target(%dma_start3A_176 : memref<128x64xf32, #tpu.memory_space<vmem>>) offsets(%dma_start3A_178 : memref<128xi32, #tpu.memory_space<vmem>>) semaphore(%arg8 : memref<!tpu.dma_semaphore, #tpu.memory_space<semaphore_mem>>)
    %dma_wait3A_182 = arith.constant 384 : i32
    %dma_wait3A_183 = tpu.memref_slice %arg5[%dma_wait3A_182] : memref<1024xi32, #tpu.memory_space<vmem>> -> memref<128xi32, #tpu.memory_space<vmem>>
    %dma_wait3A_184 = tpu.memref_slice %arg3[%add3A_102] : memref<16384xi32, #tpu.memory_space<hbm>> -> memref<128xi32, #tpu.memory_space<hbm>>
    %dma_wait3A_185 = arith.constant 384 : i32
    %dma_wait3A_186 = tpu.memref_slice %arg5[%dma_wait3A_185] : memref<1024xi32, #tpu.memory_space<vmem>> -> memref<128xi32, #tpu.memory_space<vmem>>
    %dma_wait3A_187 = tpu.memref_slice %arg3[%add3A_102] : memref<16384xi32, #tpu.memory_space<hbm>> -> memref<128xi32, #tpu.memory_space<hbm>>
    tpu.wait_dma2 semaphore(%arg7 : memref<!tpu.dma_semaphore, #tpu.memory_space<semaphore_mem>>) src(%dma_wait3A_187 : memref<128xi32, #tpu.memory_space<hbm>>) dst(%dma_wait3A_186 : memref<128xi32, #tpu.memory_space<vmem>>)
    %dma_start3A_188 = arith.constant 384 : i32
    %dma_start3A_189 = arith.constant 0 : i32
    %dma_start3A_190 = tpu.memref_slice %arg6[%dma_start3A_188, %dma_start3A_189] : memref<1024x64xf32, #tpu.memory_space<vmem>> -> memref<128x64xf32, #tpu.memory_space<vmem>>
    %dma_start3A_191 = arith.constant 384 : i32
    %dma_start3A_192 = tpu.memref_slice %arg5[%dma_start3A_191] : memref<1024xi32, #tpu.memory_space<vmem>> -> memref<128xi32, #tpu.memory_space<vmem>>
    %dma_start3A_193 = arith.constant 0 : i32
    %dma_start3A_194 = arith.constant 0 : i32
    %dma_start3A_195 = tpu.memref_slice %arg2[%dma_start3A_193, %dma_start3A_194] : memref<1000x64xf32, #tpu.memory_space<hbm>> -> memref<1000x64xf32, #tpu.memory_space<hbm>>
    tpu.enqueue_indirect_dma source(%dma_start3A_195 : memref<1000x64xf32, #tpu.memory_space<hbm>>) target(%dma_start3A_190 : memref<128x64xf32, #tpu.memory_space<vmem>>) offsets(%dma_start3A_192 : memref<128xi32, #tpu.memory_space<vmem>>) semaphore(%arg8 : memref<!tpu.dma_semaphore, #tpu.memory_space<semaphore_mem>>)
    %dma_wait3A_196 = arith.constant 512 : i32
    %dma_wait3A_197 = tpu.memref_slice %arg5[%dma_wait3A_196] : memref<1024xi32, #tpu.memory_space<vmem>> -> memref<128xi32, #tpu.memory_space<vmem>>
    %dma_wait3A_198 = tpu.memref_slice %arg3[%add3A_110] : memref<16384xi32, #tpu.memory_space<hbm>> -> memref<128xi32, #tpu.memory_space<hbm>>
    %dma_wait3A_199 = arith.constant 512 : i32
    %dma_wait3A_200 = tpu.memref_slice %arg5[%dma_wait3A_199] : memref<1024xi32, #tpu.memory_space<vmem>> -> memref<128xi32, #tpu.memory_space<vmem>>
    %dma_wait3A_201 = tpu.memref_slice %arg3[%add3A_110] : memref<16384xi32, #tpu.memory_space<hbm>> -> memref<128xi32, #tpu.memory_space<hbm>>
    tpu.wait_dma2 semaphore(%arg7 : memref<!tpu.dma_semaphore, #tpu.memory_space<semaphore_mem>>) src(%dma_wait3A_201 : memref<128xi32, #tpu.memory_space<hbm>>) dst(%dma_wait3A_200 : memref<128xi32, #tpu.memory_space<vmem>>)
    %dma_start3A_202 = arith.constant 512 : i32
    %dma_start3A_203 = arith.constant 0 : i32
    %dma_start3A_204 = tpu.memref_slice %arg6[%dma_start3A_202, %dma_start3A_203] : memref<1024x64xf32, #tpu.memory_space<vmem>> -> memref<128x64xf32, #tpu.memory_space<vmem>>
    %dma_start3A_205 = arith.constant 512 : i32
    %dma_start3A_206 = tpu.memref_slice %arg5[%dma_start3A_205] : memref<1024xi32, #tpu.memory_space<vmem>> -> memref<128xi32, #tpu.memory_space<vmem>>
    %dma_start3A_207 = arith.constant 0 : i32
    %dma_start3A_208 = arith.constant 0 : i32
    %dma_start3A_209 = tpu.memref_slice %arg2[%dma_start3A_207, %dma_start3A_208] : memref<1000x64xf32, #tpu.memory_space<hbm>> -> memref<1000x64xf32, #tpu.memory_space<hbm>>
    tpu.enqueue_indirect_dma source(%dma_start3A_209 : memref<1000x64xf32, #tpu.memory_space<hbm>>) target(%dma_start3A_204 : memref<128x64xf32, #tpu.memory_space<vmem>>) offsets(%dma_start3A_206 : memref<128xi32, #tpu.memory_space<vmem>>) semaphore(%arg8 : memref<!tpu.dma_semaphore, #tpu.memory_space<semaphore_mem>>)
    %dma_wait3A_210 = arith.constant 640 : i32
    %dma_wait3A_211 = tpu.memref_slice %arg5[%dma_wait3A_210] : memref<1024xi32, #tpu.memory_space<vmem>> -> memref<128xi32, #tpu.memory_space<vmem>>
    %dma_wait3A_212 = tpu.memref_slice %arg3[%add3A_118] : memref<16384xi32, #tpu.memory_space<hbm>> -> memref<128xi32, #tpu.memory_space<hbm>>
    %dma_wait3A_213 = arith.constant 640 : i32
    %dma_wait3A_214 = tpu.memref_slice %arg5[%dma_wait3A_213] : memref<1024xi32, #tpu.memory_space<vmem>> -> memref<128xi32, #tpu.memory_space<vmem>>
    %dma_wait3A_215 = tpu.memref_slice %arg3[%add3A_118] : memref<16384xi32, #tpu.memory_space<hbm>> -> memref<128xi32, #tpu.memory_space<hbm>>
    tpu.wait_dma2 semaphore(%arg7 : memref<!tpu.dma_semaphore, #tpu.memory_space<semaphore_mem>>) src(%dma_wait3A_215 : memref<128xi32, #tpu.memory_space<hbm>>) dst(%dma_wait3A_214 : memref<128xi32, #tpu.memory_space<vmem>>)
    %dma_start3A_216 = arith.constant 640 : i32
    %dma_start3A_217 = arith.constant 0 : i32
    %dma_start3A_218 = tpu.memref_slice %arg6[%dma_start3A_216, %dma_start3A_217] : memref<1024x64xf32, #tpu.memory_space<vmem>> -> memref<128x64xf32, #tpu.memory_space<vmem>>
    %dma_start3A_219 = arith.constant 640 : i32
    %dma_start3A_220 = tpu.memref_slice %arg5[%dma_start3A_219] : memref<1024xi32, #tpu.memory_space<vmem>> -> memref<128xi32, #tpu.memory_space<vmem>>
    %dma_start3A_221 = arith.constant 0 : i32
    %dma_start3A_222 = arith.constant 0 : i32
    %dma_start3A_223 = tpu.memref_slice %arg2[%dma_start3A_221, %dma_start3A_222] : memref<1000x64xf32, #tpu.memory_space<hbm>> -> memref<1000x64xf32, #tpu.memory_space<hbm>>
    tpu.enqueue_indirect_dma source(%dma_start3A_223 : memref<1000x64xf32, #tpu.memory_space<hbm>>) target(%dma_start3A_218 : memref<128x64xf32, #tpu.memory_space<vmem>>) offsets(%dma_start3A_220 : memref<128xi32, #tpu.memory_space<vmem>>) semaphore(%arg8 : memref<!tpu.dma_semaphore, #tpu.memory_space<semaphore_mem>>)
    %dma_wait3A_224 = arith.constant 768 : i32
    %dma_wait3A_225 = tpu.memref_slice %arg5[%dma_wait3A_224] : memref<1024xi32, #tpu.memory_space<vmem>> -> memref<128xi32, #tpu.memory_space<vmem>>
    %dma_wait3A_226 = tpu.memref_slice %arg3[%add3A_126] : memref<16384xi32, #tpu.memory_space<hbm>> -> memref<128xi32, #tpu.memory_space<hbm>>
    %dma_wait3A_227 = arith.constant 768 : i32
    %dma_wait3A_228 = tpu.memref_slice %arg5[%dma_wait3A_227] : memref<1024xi32, #tpu.memory_space<vmem>> -> memref<128xi32, #tpu.memory_space<vmem>>
    %dma_wait3A_229 = tpu.memref_slice %arg3[%add3A_126] : memref<16384xi32, #tpu.memory_space<hbm>> -> memref<128xi32, #tpu.memory_space<hbm>>
    tpu.wait_dma2 semaphore(%arg7 : memref<!tpu.dma_semaphore, #tpu.memory_space<semaphore_mem>>) src(%dma_wait3A_229 : memref<128xi32, #tpu.memory_space<hbm>>) dst(%dma_wait3A_228 : memref<128xi32, #tpu.memory_space<vmem>>)
    %dma_start3A_230 = arith.constant 768 : i32
    %dma_start3A_231 = arith.constant 0 : i32
    %dma_start3A_232 = tpu.memref_slice %arg6[%dma_start3A_230, %dma_start3A_231] : memref<1024x64xf32, #tpu.memory_space<vmem>> -> memref<128x64xf32, #tpu.memory_space<vmem>>
    %dma_start3A_233 = arith.constant 768 : i32
    %dma_start3A_234 = tpu.memref_slice %arg5[%dma_start3A_233] : memref<1024xi32, #tpu.memory_space<vmem>> -> memref<128xi32, #tpu.memory_space<vmem>>
    %dma_start3A_235 = arith.constant 0 : i32
    %dma_start3A_236 = arith.constant 0 : i32
    %dma_start3A_237 = tpu.memref_slice %arg2[%dma_start3A_235, %dma_start3A_236] : memref<1000x64xf32, #tpu.memory_space<hbm>> -> memref<1000x64xf32, #tpu.memory_space<hbm>>
    tpu.enqueue_indirect_dma source(%dma_start3A_237 : memref<1000x64xf32, #tpu.memory_space<hbm>>) target(%dma_start3A_232 : memref<128x64xf32, #tpu.memory_space<vmem>>) offsets(%dma_start3A_234 : memref<128xi32, #tpu.memory_space<vmem>>) semaphore(%arg8 : memref<!tpu.dma_semaphore, #tpu.memory_space<semaphore_mem>>)
    %dma_wait3A_238 = arith.constant 896 : i32
    %dma_wait3A_239 = tpu.memref_slice %arg5[%dma_wait3A_238] : memref<1024xi32, #tpu.memory_space<vmem>> -> memref<128xi32, #tpu.memory_space<vmem>>
    %dma_wait3A_240 = tpu.memref_slice %arg3[%add3A_134] : memref<16384xi32, #tpu.memory_space<hbm>> -> memref<128xi32, #tpu.memory_space<hbm>>
    %dma_wait3A_241 = arith.constant 896 : i32
    %dma_wait3A_242 = tpu.memref_slice %arg5[%dma_wait3A_241] : memref<1024xi32, #tpu.memory_space<vmem>> -> memref<128xi32, #tpu.memory_space<vmem>>
    %dma_wait3A_243 = tpu.memref_slice %arg3[%add3A_134] : memref<16384xi32, #tpu.memory_space<hbm>> -> memref<128xi32, #tpu.memory_space<hbm>>
    tpu.wait_dma2 semaphore(%arg7 : memref<!tpu.dma_semaphore, #tpu.memory_space<semaphore_mem>>) src(%dma_wait3A_243 : memref<128xi32, #tpu.memory_space<hbm>>) dst(%dma_wait3A_242 : memref<128xi32, #tpu.memory_space<vmem>>)
    %dma_start3A_244 = arith.constant 896 : i32
    %dma_start3A_245 = arith.constant 0 : i32
    %dma_start3A_246 = tpu.memref_slice %arg6[%dma_start3A_244, %dma_start3A_245] : memref<1024x64xf32, #tpu.memory_space<vmem>> -> memref<128x64xf32, #tpu.memory_space<vmem>>
    %dma_start3A_247 = arith.constant 896 : i32
    %dma_start3A_248 = tpu.memref_slice %arg5[%dma_start3A_247] : memref<1024xi32, #tpu.memory_space<vmem>> -> memref<128xi32, #tpu.memory_space<vmem>>
    %dma_start3A_249 = arith.constant 0 : i32
    %dma_start3A_250 = arith.constant 0 : i32
    %dma_start3A_251 = tpu.memref_slice %arg2[%dma_start3A_249, %dma_start3A_250] : memref<1000x64xf32, #tpu.memory_space<hbm>> -> memref<1000x64xf32, #tpu.memory_space<hbm>>
    tpu.enqueue_indirect_dma source(%dma_start3A_251 : memref<1000x64xf32, #tpu.memory_space<hbm>>) target(%dma_start3A_246 : memref<128x64xf32, #tpu.memory_space<vmem>>) offsets(%dma_start3A_248 : memref<128xi32, #tpu.memory_space<vmem>>) semaphore(%arg8 : memref<!tpu.dma_semaphore, #tpu.memory_space<semaphore_mem>>)
    %dma_wait3A_252 = arith.constant 0 : i32
    %dma_wait3A_253 = arith.constant 0 : i32
    %dma_wait3A_254 = tpu.memref_slice %arg6[%dma_wait3A_252, %dma_wait3A_253] : memref<1024x64xf32, #tpu.memory_space<vmem>> -> memref<128x64xf32, #tpu.memory_space<vmem>>
    %dma_wait3A_255 = arith.constant 0 : i32
    %dma_wait3A_256 = tpu.memref_slice %arg5[%dma_wait3A_255] : memref<1024xi32, #tpu.memory_space<vmem>> -> memref<128xi32, #tpu.memory_space<vmem>>
    %dma_wait3A_257 = arith.constant 0 : i32
    %dma_wait3A_258 = arith.constant 0 : i32
    %dma_wait3A_259 = tpu.memref_slice %arg2[%dma_wait3A_257, %dma_wait3A_258] : memref<1000x64xf32, #tpu.memory_space<hbm>> -> memref<1000x64xf32, #tpu.memory_space<hbm>>
    tpu.wait_indirect_dma semaphore(%arg8 : memref<!tpu.dma_semaphore, #tpu.memory_space<semaphore_mem>>) src(%dma_wait3A_259 : memref<1000x64xf32, #tpu.memory_space<hbm>>) dst(%dma_wait3A_254 : memref<128x64xf32, #tpu.memory_space<vmem>>)
    %dma_wait3A_260 = arith.constant 128 : i32
    %dma_wait3A_261 = arith.constant 0 : i32
    %dma_wait3A_262 = tpu.memref_slice %arg6[%dma_wait3A_260, %dma_wait3A_261] : memref<1024x64xf32, #tpu.memory_space<vmem>> -> memref<128x64xf32, #tpu.memory_space<vmem>>
    %dma_wait3A_263 = arith.constant 128 : i32
    %dma_wait3A_264 = tpu.memref_slice %arg5[%dma_wait3A_263] : memref<1024xi32, #tpu.memory_space<vmem>> -> memref<128xi32, #tpu.memory_space<vmem>>
    %dma_wait3A_265 = arith.constant 0 : i32
    %dma_wait3A_266 = arith.constant 0 : i32
    %dma_wait3A_267 = tpu.memref_slice %arg2[%dma_wait3A_265, %dma_wait3A_266] : memref<1000x64xf32, #tpu.memory_space<hbm>> -> memref<1000x64xf32, #tpu.memory_space<hbm>>
    tpu.wait_indirect_dma semaphore(%arg8 : memref<!tpu.dma_semaphore, #tpu.memory_space<semaphore_mem>>) src(%dma_wait3A_267 : memref<1000x64xf32, #tpu.memory_space<hbm>>) dst(%dma_wait3A_262 : memref<128x64xf32, #tpu.memory_space<vmem>>)
    %dma_wait3A_268 = arith.constant 256 : i32
    %dma_wait3A_269 = arith.constant 0 : i32
    %dma_wait3A_270 = tpu.memref_slice %arg6[%dma_wait3A_268, %dma_wait3A_269] : memref<1024x64xf32, #tpu.memory_space<vmem>> -> memref<128x64xf32, #tpu.memory_space<vmem>>
    %dma_wait3A_271 = arith.constant 256 : i32
    %dma_wait3A_272 = tpu.memref_slice %arg5[%dma_wait3A_271] : memref<1024xi32, #tpu.memory_space<vmem>> -> memref<128xi32, #tpu.memory_space<vmem>>
    %dma_wait3A_273 = arith.constant 0 : i32
    %dma_wait3A_274 = arith.constant 0 : i32
    %dma_wait3A_275 = tpu.memref_slice %arg2[%dma_wait3A_273, %dma_wait3A_274] : memref<1000x64xf32, #tpu.memory_space<hbm>> -> memref<1000x64xf32, #tpu.memory_space<hbm>>
    tpu.wait_indirect_dma semaphore(%arg8 : memref<!tpu.dma_semaphore, #tpu.memory_space<semaphore_mem>>) src(%dma_wait3A_275 : memref<1000x64xf32, #tpu.memory_space<hbm>>) dst(%dma_wait3A_270 : memref<128x64xf32, #tpu.memory_space<vmem>>)
    %dma_wait3A_276 = arith.constant 384 : i32
    %dma_wait3A_277 = arith.constant 0 : i32
    %dma_wait3A_278 = tpu.memref_slice %arg6[%dma_wait3A_276, %dma_wait3A_277] : memref<1024x64xf32, #tpu.memory_space<vmem>> -> memref<128x64xf32, #tpu.memory_space<vmem>>
    %dma_wait3A_279 = arith.constant 384 : i32
    %dma_wait3A_280 = tpu.memref_slice %arg5[%dma_wait3A_279] : memref<1024xi32, #tpu.memory_space<vmem>> -> memref<128xi32, #tpu.memory_space<vmem>>
    %dma_wait3A_281 = arith.constant 0 : i32
    %dma_wait3A_282 = arith.constant 0 : i32
    %dma_wait3A_283 = tpu.memref_slice %arg2[%dma_wait3A_281, %dma_wait3A_282] : memref<1000x64xf32, #tpu.memory_space<hbm>> -> memref<1000x64xf32, #tpu.memory_space<hbm>>
    tpu.wait_indirect_dma semaphore(%arg8 : memref<!tpu.dma_semaphore, #tpu.memory_space<semaphore_mem>>) src(%dma_wait3A_283 : memref<1000x64xf32, #tpu.memory_space<hbm>>) dst(%dma_wait3A_278 : memref<128x64xf32, #tpu.memory_space<vmem>>)
    %dma_start3A_284 = arith.constant 0 : i32
    %dma_start3A_285 = arith.constant 0 : i32
    %dma_start3A_286 = tpu.memref_slice %arg6[%dma_start3A_284, %dma_start3A_285] : memref<1024x64xf32, #tpu.memory_space<vmem>> -> memref<512x64xf32, #tpu.memory_space<vmem>>
    %dma_start3A_287 = tpu.memref_slice %arg4[%add3A_35, %mul3A_77] : memref<8192x128xf32, #tpu.memory_space<hbm>> -> memref<512x64xf32, #tpu.memory_space<hbm>>
    %dma_start3A_288 = tpu.memref_slice %arg4[%add3A_35, %mul3A_77] : memref<8192x128xf32, #tpu.memory_space<hbm>> -> memref<512x64xf32, #tpu.memory_space<hbm>>
    %dma_start3A_289 = arith.constant 0 : i32
    %dma_start3A_290 = arith.constant 0 : i32
    %dma_start3A_291 = tpu.memref_slice %arg6[%dma_start3A_289, %dma_start3A_290] : memref<1024x64xf32, #tpu.memory_space<vmem>> -> memref<512x64xf32, #tpu.memory_space<vmem>>
    tpu.enqueue_dma source(%dma_start3A_291 : memref<512x64xf32, #tpu.memory_space<vmem>>) target(%dma_start3A_288 : memref<512x64xf32, #tpu.memory_space<hbm>>) target_semaphore(%arg9 : memref<!tpu.dma_semaphore, #tpu.memory_space<semaphore_mem>>)
    %dma_wait3A_292 = arith.constant 512 : i32
    %dma_wait3A_293 = arith.constant 0 : i32
    %dma_wait3A_294 = tpu.memref_slice %arg6[%dma_wait3A_292, %dma_wait3A_293] : memref<1024x64xf32, #tpu.memory_space<vmem>> -> memref<128x64xf32, #tpu.memory_space<vmem>>
    %dma_wait3A_295 = arith.constant 512 : i32
    %dma_wait3A_296 = tpu.memref_slice %arg5[%dma_wait3A_295] : memref<1024xi32, #tpu.memory_space<vmem>> -> memref<128xi32, #tpu.memory_space<vmem>>
    %dma_wait3A_297 = arith.constant 0 : i32
    %dma_wait3A_298 = arith.constant 0 : i32
    %dma_wait3A_299 = tpu.memref_slice %arg2[%dma_wait3A_297, %dma_wait3A_298] : memref<1000x64xf32, #tpu.memory_space<hbm>> -> memref<1000x64xf32, #tpu.memory_space<hbm>>
    tpu.wait_indirect_dma semaphore(%arg8 : memref<!tpu.dma_semaphore, #tpu.memory_space<semaphore_mem>>) src(%dma_wait3A_299 : memref<1000x64xf32, #tpu.memory_space<hbm>>) dst(%dma_wait3A_294 : memref<128x64xf32, #tpu.memory_space<vmem>>)
    %dma_wait3A_300 = arith.constant 640 : i32
    %dma_wait3A_301 = arith.constant 0 : i32
    %dma_wait3A_302 = tpu.memref_slice %arg6[%dma_wait3A_300, %dma_wait3A_301] : memref<1024x64xf32, #tpu.memory_space<vmem>> -> memref<128x64xf32, #tpu.memory_space<vmem>>
    %dma_wait3A_303 = arith.constant 640 : i32
    %dma_wait3A_304 = tpu.memref_slice %arg5[%dma_wait3A_303] : memref<1024xi32, #tpu.memory_space<vmem>> -> memref<128xi32, #tpu.memory_space<vmem>>
    %dma_wait3A_305 = arith.constant 0 : i32
    %dma_wait3A_306 = arith.constant 0 : i32
    %dma_wait3A_307 = tpu.memref_slice %arg2[%dma_wait3A_305, %dma_wait3A_306] : memref<1000x64xf32, #tpu.memory_space<hbm>> -> memref<1000x64xf32, #tpu.memory_space<hbm>>
    tpu.wait_indirect_dma semaphore(%arg8 : memref<!tpu.dma_semaphore, #tpu.memory_space<semaphore_mem>>) src(%dma_wait3A_307 : memref<1000x64xf32, #tpu.memory_space<hbm>>) dst(%dma_wait3A_302 : memref<128x64xf32, #tpu.memory_space<vmem>>)
    %dma_wait3A_308 = arith.constant 768 : i32
    %dma_wait3A_309 = arith.constant 0 : i32
    %dma_wait3A_310 = tpu.memref_slice %arg6[%dma_wait3A_308, %dma_wait3A_309] : memref<1024x64xf32, #tpu.memory_space<vmem>> -> memref<128x64xf32, #tpu.memory_space<vmem>>
    %dma_wait3A_311 = arith.constant 768 : i32
    %dma_wait3A_312 = tpu.memref_slice %arg5[%dma_wait3A_311] : memref<1024xi32, #tpu.memory_space<vmem>> -> memref<128xi32, #tpu.memory_space<vmem>>
    %dma_wait3A_313 = arith.constant 0 : i32
    %dma_wait3A_314 = arith.constant 0 : i32
    %dma_wait3A_315 = tpu.memref_slice %arg2[%dma_wait3A_313, %dma_wait3A_314] : memref<1000x64xf32, #tpu.memory_space<hbm>> -> memref<1000x64xf32, #tpu.memory_space<hbm>>
    tpu.wait_indirect_dma semaphore(%arg8 : memref<!tpu.dma_semaphore, #tpu.memory_space<semaphore_mem>>) src(%dma_wait3A_315 : memref<1000x64xf32, #tpu.memory_space<hbm>>) dst(%dma_wait3A_310 : memref<128x64xf32, #tpu.memory_space<vmem>>)
    %dma_wait3A_316 = arith.constant 896 : i32
    %dma_wait3A_317 = arith.constant 0 : i32
    %dma_wait3A_318 = tpu.memref_slice %arg6[%dma_wait3A_316, %dma_wait3A_317] : memref<1024x64xf32, #tpu.memory_space<vmem>> -> memref<128x64xf32, #tpu.memory_space<vmem>>
    %dma_wait3A_319 = arith.constant 896 : i32
    %dma_wait3A_320 = tpu.memref_slice %arg5[%dma_wait3A_319] : memref<1024xi32, #tpu.memory_space<vmem>> -> memref<128xi32, #tpu.memory_space<vmem>>
    %dma_wait3A_321 = arith.constant 0 : i32
    %dma_wait3A_322 = arith.constant 0 : i32
    %dma_wait3A_323 = tpu.memref_slice %arg2[%dma_wait3A_321, %dma_wait3A_322] : memref<1000x64xf32, #tpu.memory_space<hbm>> -> memref<1000x64xf32, #tpu.memory_space<hbm>>
    tpu.wait_indirect_dma semaphore(%arg8 : memref<!tpu.dma_semaphore, #tpu.memory_space<semaphore_mem>>) src(%dma_wait3A_323 : memref<1000x64xf32, #tpu.memory_space<hbm>>) dst(%dma_wait3A_318 : memref<128x64xf32, #tpu.memory_space<vmem>>)
    %add3A_324 = arith.constant 512 : i32
    %add3A_325 = arith.addi %add3A_35, %add3A_324 : i32
    %dma_start3A_326 = arith.constant 512 : i32
    %dma_start3A_327 = arith.constant 0 : i32
    %dma_start3A_328 = tpu.memref_slice %arg6[%dma_start3A_326, %dma_start3A_327] : memref<1024x64xf32, #tpu.memory_space<vmem>> -> memref<512x64xf32, #tpu.memory_space<vmem>>
    %dma_start3A_329 = tpu.memref_slice %arg4[%add3A_325, %mul3A_77] : memref<8192x128xf32, #tpu.memory_space<hbm>> -> memref<512x64xf32, #tpu.memory_space<hbm>>
    %dma_start3A_330 = tpu.memref_slice %arg4[%add3A_325, %mul3A_77] : memref<8192x128xf32, #tpu.memory_space<hbm>> -> memref<512x64xf32, #tpu.memory_space<hbm>>
    %dma_start3A_331 = arith.constant 512 : i32
    %dma_start3A_332 = arith.constant 0 : i32
    %dma_start3A_333 = tpu.memref_slice %arg6[%dma_start3A_331, %dma_start3A_332] : memref<1024x64xf32, #tpu.memory_space<vmem>> -> memref<512x64xf32, #tpu.memory_space<vmem>>
    tpu.enqueue_dma source(%dma_start3A_333 : memref<512x64xf32, #tpu.memory_space<vmem>>) target(%dma_start3A_330 : memref<512x64xf32, #tpu.memory_space<hbm>>) target_semaphore(%arg9 : memref<!tpu.dma_semaphore, #tpu.memory_space<semaphore_mem>>)
    %dma_wait3A_334 = arith.constant 0 : i32
    %dma_wait3A_335 = arith.constant 0 : i32
    %dma_wait3A_336 = tpu.memref_slice %arg6[%dma_wait3A_334, %dma_wait3A_335] : memref<1024x64xf32, #tpu.memory_space<vmem>> -> memref<512x64xf32, #tpu.memory_space<vmem>>
    %dma_wait3A_337 = tpu.memref_slice %arg4[%add3A_35, %mul3A_77] : memref<8192x128xf32, #tpu.memory_space<hbm>> -> memref<512x64xf32, #tpu.memory_space<hbm>>
    %dma_wait3A_338 = tpu.memref_slice %arg4[%add3A_35, %mul3A_77] : memref<8192x128xf32, #tpu.memory_space<hbm>> -> memref<512x64xf32, #tpu.memory_space<hbm>>
    %dma_wait3A_339 = arith.constant 0 : i32
    %dma_wait3A_340 = arith.constant 0 : i32
    %dma_wait3A_341 = tpu.memref_slice %arg6[%dma_wait3A_339, %dma_wait3A_340] : memref<1024x64xf32, #tpu.memory_space<vmem>> -> memref<512x64xf32, #tpu.memory_space<vmem>>
    tpu.wait_dma2 semaphore(%arg9 : memref<!tpu.dma_semaphore, #tpu.memory_space<semaphore_mem>>) src(%dma_wait3A_341 : memref<512x64xf32, #tpu.memory_space<vmem>>) dst(%dma_wait3A_338 : memref<512x64xf32, #tpu.memory_space<hbm>>)
    %dma_wait3A_342 = arith.constant 512 : i32
    %dma_wait3A_343 = arith.constant 0 : i32
    %dma_wait3A_344 = tpu.memref_slice %arg6[%dma_wait3A_342, %dma_wait3A_343] : memref<1024x64xf32, #tpu.memory_space<vmem>> -> memref<512x64xf32, #tpu.memory_space<vmem>>
    %dma_wait3A_345 = tpu.memref_slice %arg4[%add3A_325, %mul3A_77] : memref<8192x128xf32, #tpu.memory_space<hbm>> -> memref<512x64xf32, #tpu.memory_space<hbm>>
    %dma_wait3A_346 = tpu.memref_slice %arg4[%add3A_325, %mul3A_77] : memref<8192x128xf32, #tpu.memory_space<hbm>> -> memref<512x64xf32, #tpu.memory_space<hbm>>
    %dma_wait3A_347 = arith.constant 512 : i32
    %dma_wait3A_348 = arith.constant 0 : i32
    %dma_wait3A_349 = tpu.memref_slice %arg6[%dma_wait3A_347, %dma_wait3A_348] : memref<1024x64xf32, #tpu.memory_space<vmem>> -> memref<512x64xf32, #tpu.memory_space<vmem>>
    tpu.wait_dma2 semaphore(%arg9 : memref<!tpu.dma_semaphore, #tpu.memory_space<semaphore_mem>>) src(%dma_wait3A_349 : memref<512x64xf32, #tpu.memory_space<vmem>>) dst(%dma_wait3A_346 : memref<512x64xf32, #tpu.memory_space<hbm>>)
    return
  }
}

module attributes {stable_mosaic.version = 14 : i64} {
  func.func @_fused_body(%arg0: i32, %arg1: memref<64x8192xf32, #tpu.memory_space<vmem>>, %arg2: memref<4096x128xf32, #tpu.memory_space<vmem>>, %arg3: memref<64x128xf32, #tpu.memory_space<vmem>>, %arg4: memref<64x1xf32, #tpu.memory_space<vmem>>, %arg5: memref<64x8192xf32, #tpu.memory_space<vmem>>) attributes {dimension_semantics = [#tpu.dimension_semantics<arbitrary>], iteration_bounds = array<i64: 2>, scalar_prefetch = 0 : i64, scratch_operands = 0 : i64, tpu.core_type = #tpu.core_type<tc>, window_params = [{transform_indices = @transform_0, window_bounds = array<i64: 64, 8192>}, {transform_indices = @transform_1, window_bounds = array<i64: 4096, 128>}, {pipeline_mode = #tpu.pipeline_mode<synchronous>, transform_indices = @transform_2, window_bounds = array<i64: 64, 128>}, {pipeline_mode = #tpu.pipeline_mode<synchronous>, transform_indices = @transform_3, window_bounds = array<i64: 64, 1>}, {transform_indices = @transform_4, window_bounds = array<i64: 64, 8192>}]} {
    %get3A = arith.constant 0 : index
    %get3A_0 = arith.constant 0 : index
    %get3A_1 = vector.load %arg3[%get3A, %get3A_0] : memref<64x128xf32, #tpu.memory_space<vmem>>, vector<64x64xf32>
    %get3A_2 = arith.constant 0 : index
    %get3A_3 = arith.constant 0 : index
    %get3A_4 = vector.load %arg1[%get3A_2, %get3A_3] : memref<64x8192xf32, #tpu.memory_space<vmem>>, vector<64x8192xf32>
    %dot_general3A = arith.constant dense<0.000000e+00> : vector<64x8192xf32>
    %dot_general3A_5 = tpu.matmul %get3A_1, %get3A_4, %dot_general3A {dimension_numbers = #tpu.dot_dimension_numbers<[1], [0], [0], [1], [0, 0, 1, 1], [], []>, transpose_lhs_hint = false} : vector<64x64xf32>, vector<64x8192xf32>, vector<64x8192xf32> -> vector<64x8192xf32>
    %get3A_6 = arith.constant 0 : index
    %get3A_7 = arith.constant 0 : index
    %get3A_8 = vector.load %arg4[%get3A_6, %get3A_7] : memref<64x1xf32, #tpu.memory_space<vmem>>, vector<64x1xf32>
    %get3A_9 = arith.constant 0 : index
    %get3A_10 = arith.constant 64 : index
    %get3A_11 = vector.load %arg3[%get3A_9, %get3A_10] : memref<64x128xf32, #tpu.memory_space<vmem>>, vector<64x64xf32>
    %get3A_12 = arith.constant 0 : index
    %get3A_13 = arith.constant 0 : index
    %get3A_14 = vector.load %arg2[%get3A_12, %get3A_13] : memref<4096x128xf32, #tpu.memory_space<vmem>>, vector<1024x64xf32>
    %dot_general3A_15 = arith.constant dense<0.000000e+00> : vector<64x1024xf32>
    %dot_general3A_16 = tpu.matmul %get3A_11, %get3A_14, %dot_general3A_15 {dimension_numbers = #tpu.dot_dimension_numbers<[1], [1], [0], [0], [0, 0, 1, 0], [], []>, transpose_lhs_hint = false} : vector<64x64xf32>, vector<1024x64xf32>, vector<64x1024xf32> -> vector<64x1024xf32>
    %get3A_17 = arith.constant 0 : index
    %get3A_18 = arith.constant 64 : index
    %get3A_19 = vector.load %arg3[%get3A_17, %get3A_18] : memref<64x128xf32, #tpu.memory_space<vmem>>, vector<64x64xf32>
    %get3A_20 = arith.constant 0 : index
    %get3A_21 = arith.constant 64 : index
    %get3A_22 = vector.load %arg2[%get3A_20, %get3A_21] : memref<4096x128xf32, #tpu.memory_space<vmem>>, vector<1024x64xf32>
    %dot_general3A_23 = arith.constant dense<0.000000e+00> : vector<64x1024xf32>
    %dot_general3A_24 = tpu.matmul %get3A_19, %get3A_22, %dot_general3A_23 {dimension_numbers = #tpu.dot_dimension_numbers<[1], [1], [0], [0], [0, 0, 1, 0], [], []>, transpose_lhs_hint = false} : vector<64x64xf32>, vector<1024x64xf32>, vector<64x1024xf32> -> vector<64x1024xf32>
    %slice3A = vector.extract_strided_slice %dot_general3A_5 {offsets = [0, 0], sizes = [64, 1024], strides = [1, 1]} : vector<64x8192xf32> to vector<64x1024xf32>
    %add3A = arith.addf %slice3A, %dot_general3A_16 : vector<64x1024xf32>
    %add3A_25 = vector.broadcast %get3A_8 : vector<64x1xf32> to vector<64x1024xf32>
    %add3A_26 = arith.addf %add3A, %add3A_25 : vector<64x1024xf32>
    %swap3A = arith.constant 0 : index
    %swap3A_27 = arith.constant 0 : index
    %swap3A_28 = vector.load %arg5[%swap3A, %swap3A_27] : memref<64x8192xf32, #tpu.memory_space<vmem>>, vector<64x1024xf32>
    tpu.vector_store %arg5[%swap3A, %swap3A_27], %add3A_26 {strides = array<i32>} : memref<64x8192xf32, #tpu.memory_space<vmem>>, vector<64x1024xf32>,
    %slice3A_29 = vector.extract_strided_slice %dot_general3A_5 {offsets = [0, 1024], sizes = [64, 1024], strides = [1, 1]} : vector<64x8192xf32> to vector<64x1024xf32>
    %add3A_30 = arith.addf %slice3A_29, %dot_general3A_24 : vector<64x1024xf32>
    %add3A_31 = vector.broadcast %get3A_8 : vector<64x1xf32> to vector<64x1024xf32>
    %add3A_32 = arith.addf %add3A_30, %add3A_31 : vector<64x1024xf32>
    %swap3A_33 = arith.constant 0 : index
    %swap3A_34 = arith.constant 1024 : index
    %swap3A_35 = vector.load %arg5[%swap3A_33, %swap3A_34] : memref<64x8192xf32, #tpu.memory_space<vmem>>, vector<64x1024xf32>
    tpu.vector_store %arg5[%swap3A_33, %swap3A_34], %add3A_32 {strides = array<i32>} : memref<64x8192xf32, #tpu.memory_space<vmem>>, vector<64x1024xf32>,
    %get3A_36 = arith.constant 0 : index
    %get3A_37 = arith.constant 64 : index
    %get3A_38 = vector.load %arg3[%get3A_36, %get3A_37] : memref<64x128xf32, #tpu.memory_space<vmem>>, vector<64x64xf32>
    %get3A_39 = arith.constant 1024 : index
    %get3A_40 = arith.constant 0 : index
    %get3A_41 = vector.load %arg2[%get3A_39, %get3A_40] : memref<4096x128xf32, #tpu.memory_space<vmem>>, vector<1024x64xf32>
    %dot_general3A_42 = arith.constant dense<0.000000e+00> : vector<64x1024xf32>
    %dot_general3A_43 = tpu.matmul %get3A_38, %get3A_41, %dot_general3A_42 {dimension_numbers = #tpu.dot_dimension_numbers<[1], [1], [0], [0], [0, 0, 1, 0], [], []>, transpose_lhs_hint = false} : vector<64x64xf32>, vector<1024x64xf32>, vector<64x1024xf32> -> vector<64x1024xf32>
    %get3A_44 = arith.constant 0 : index
    %get3A_45 = arith.constant 64 : index
    %get3A_46 = vector.load %arg3[%get3A_44, %get3A_45] : memref<64x128xf32, #tpu.memory_space<vmem>>, vector<64x64xf32>
    %get3A_47 = arith.constant 1024 : index
    %get3A_48 = arith.constant 64 : index
    %get3A_49 = vector.load %arg2[%get3A_47, %get3A_48] : memref<4096x128xf32, #tpu.memory_space<vmem>>, vector<1024x64xf32>
    %dot_general3A_50 = arith.constant dense<0.000000e+00> : vector<64x1024xf32>
    %dot_general3A_51 = tpu.matmul %get3A_46, %get3A_49, %dot_general3A_50 {dimension_numbers = #tpu.dot_dimension_numbers<[1], [1], [0], [0], [0, 0, 1, 0], [], []>, transpose_lhs_hint = false} : vector<64x64xf32>, vector<1024x64xf32>, vector<64x1024xf32> -> vector<64x1024xf32>
    %slice3A_52 = vector.extract_strided_slice %dot_general3A_5 {offsets = [0, 2048], sizes = [64, 1024], strides = [1, 1]} : vector<64x8192xf32> to vector<64x1024xf32>
    %add3A_53 = arith.addf %slice3A_52, %dot_general3A_43 : vector<64x1024xf32>
    %add3A_54 = vector.broadcast %get3A_8 : vector<64x1xf32> to vector<64x1024xf32>
    %add3A_55 = arith.addf %add3A_53, %add3A_54 : vector<64x1024xf32>
    %swap3A_56 = arith.constant 0 : index
    %swap3A_57 = arith.constant 2048 : index
    %swap3A_58 = vector.load %arg5[%swap3A_56, %swap3A_57] : memref<64x8192xf32, #tpu.memory_space<vmem>>, vector<64x1024xf32>
    tpu.vector_store %arg5[%swap3A_56, %swap3A_57], %add3A_55 {strides = array<i32>} : memref<64x8192xf32, #tpu.memory_space<vmem>>, vector<64x1024xf32>,
    %slice3A_59 = vector.extract_strided_slice %dot_general3A_5 {offsets = [0, 3072], sizes = [64, 1024], strides = [1, 1]} : vector<64x8192xf32> to vector<64x1024xf32>
    %add3A_60 = arith.addf %slice3A_59, %dot_general3A_51 : vector<64x1024xf32>
    %add3A_61 = vector.broadcast %get3A_8 : vector<64x1xf32> to vector<64x1024xf32>
    %add3A_62 = arith.addf %add3A_60, %add3A_61 : vector<64x1024xf32>
    %swap3A_63 = arith.constant 0 : index
    %swap3A_64 = arith.constant 3072 : index
    %swap3A_65 = vector.load %arg5[%swap3A_63, %swap3A_64] : memref<64x8192xf32, #tpu.memory_space<vmem>>, vector<64x1024xf32>
    tpu.vector_store %arg5[%swap3A_63, %swap3A_64], %add3A_62 {strides = array<i32>} : memref<64x8192xf32, #tpu.memory_space<vmem>>, vector<64x1024xf32>,
    %get3A_66 = arith.constant 0 : index
    %get3A_67 = arith.constant 64 : index
    %get3A_68 = vector.load %arg3[%get3A_66, %get3A_67] : memref<64x128xf32, #tpu.memory_space<vmem>>, vector<64x64xf32>
    %get3A_69 = arith.constant 2048 : index
    %get3A_70 = arith.constant 0 : index
    %get3A_71 = vector.load %arg2[%get3A_69, %get3A_70] : memref<4096x128xf32, #tpu.memory_space<vmem>>, vector<1024x64xf32>
    %dot_general3A_72 = arith.constant dense<0.000000e+00> : vector<64x1024xf32>
    %dot_general3A_73 = tpu.matmul %get3A_68, %get3A_71, %dot_general3A_72 {dimension_numbers = #tpu.dot_dimension_numbers<[1], [1], [0], [0], [0, 0, 1, 0], [], []>, transpose_lhs_hint = false} : vector<64x64xf32>, vector<1024x64xf32>, vector<64x1024xf32> -> vector<64x1024xf32>
    %get3A_74 = arith.constant 0 : index
    %get3A_75 = arith.constant 64 : index
    %get3A_76 = vector.load %arg3[%get3A_74, %get3A_75] : memref<64x128xf32, #tpu.memory_space<vmem>>, vector<64x64xf32>
    %get3A_77 = arith.constant 2048 : index
    %get3A_78 = arith.constant 64 : index
    %get3A_79 = vector.load %arg2[%get3A_77, %get3A_78] : memref<4096x128xf32, #tpu.memory_space<vmem>>, vector<1024x64xf32>
    %dot_general3A_80 = arith.constant dense<0.000000e+00> : vector<64x1024xf32>
    %dot_general3A_81 = tpu.matmul %get3A_76, %get3A_79, %dot_general3A_80 {dimension_numbers = #tpu.dot_dimension_numbers<[1], [1], [0], [0], [0, 0, 1, 0], [], []>, transpose_lhs_hint = false} : vector<64x64xf32>, vector<1024x64xf32>, vector<64x1024xf32> -> vector<64x1024xf32>
    %slice3A_82 = vector.extract_strided_slice %dot_general3A_5 {offsets = [0, 4096], sizes = [64, 1024], strides = [1, 1]} : vector<64x8192xf32> to vector<64x1024xf32>
    %add3A_83 = arith.addf %slice3A_82, %dot_general3A_73 : vector<64x1024xf32>
    %add3A_84 = vector.broadcast %get3A_8 : vector<64x1xf32> to vector<64x1024xf32>
    %add3A_85 = arith.addf %add3A_83, %add3A_84 : vector<64x1024xf32>
    %swap3A_86 = arith.constant 0 : index
    %swap3A_87 = arith.constant 4096 : index
    %swap3A_88 = vector.load %arg5[%swap3A_86, %swap3A_87] : memref<64x8192xf32, #tpu.memory_space<vmem>>, vector<64x1024xf32>
    tpu.vector_store %arg5[%swap3A_86, %swap3A_87], %add3A_85 {strides = array<i32>} : memref<64x8192xf32, #tpu.memory_space<vmem>>, vector<64x1024xf32>,
    %slice3A_89 = vector.extract_strided_slice %dot_general3A_5 {offsets = [0, 5120], sizes = [64, 1024], strides = [1, 1]} : vector<64x8192xf32> to vector<64x1024xf32>
    %add3A_90 = arith.addf %slice3A_89, %dot_general3A_81 : vector<64x1024xf32>
    %add3A_91 = vector.broadcast %get3A_8 : vector<64x1xf32> to vector<64x1024xf32>
    %add3A_92 = arith.addf %add3A_90, %add3A_91 : vector<64x1024xf32>
    %swap3A_93 = arith.constant 0 : index
    %swap3A_94 = arith.constant 5120 : index
    %swap3A_95 = vector.load %arg5[%swap3A_93, %swap3A_94] : memref<64x8192xf32, #tpu.memory_space<vmem>>, vector<64x1024xf32>
    tpu.vector_store %arg5[%swap3A_93, %swap3A_94], %add3A_92 {strides = array<i32>} : memref<64x8192xf32, #tpu.memory_space<vmem>>, vector<64x1024xf32>,
    %get3A_96 = arith.constant 0 : index
    %get3A_97 = arith.constant 64 : index
    %get3A_98 = vector.load %arg3[%get3A_96, %get3A_97] : memref<64x128xf32, #tpu.memory_space<vmem>>, vector<64x64xf32>
    %get3A_99 = arith.constant 3072 : index
    %get3A_100 = arith.constant 0 : index
    %get3A_101 = vector.load %arg2[%get3A_99, %get3A_100] : memref<4096x128xf32, #tpu.memory_space<vmem>>, vector<1024x64xf32>
    %dot_general3A_102 = arith.constant dense<0.000000e+00> : vector<64x1024xf32>
    %dot_general3A_103 = tpu.matmul %get3A_98, %get3A_101, %dot_general3A_102 {dimension_numbers = #tpu.dot_dimension_numbers<[1], [1], [0], [0], [0, 0, 1, 0], [], []>, transpose_lhs_hint = false} : vector<64x64xf32>, vector<1024x64xf32>, vector<64x1024xf32> -> vector<64x1024xf32>
    %get3A_104 = arith.constant 0 : index
    %get3A_105 = arith.constant 64 : index
    %get3A_106 = vector.load %arg3[%get3A_104, %get3A_105] : memref<64x128xf32, #tpu.memory_space<vmem>>, vector<64x64xf32>
    %get3A_107 = arith.constant 3072 : index
    %get3A_108 = arith.constant 64 : index
    %get3A_109 = vector.load %arg2[%get3A_107, %get3A_108] : memref<4096x128xf32, #tpu.memory_space<vmem>>, vector<1024x64xf32>
    %dot_general3A_110 = arith.constant dense<0.000000e+00> : vector<64x1024xf32>
    %dot_general3A_111 = tpu.matmul %get3A_106, %get3A_109, %dot_general3A_110 {dimension_numbers = #tpu.dot_dimension_numbers<[1], [1], [0], [0], [0, 0, 1, 0], [], []>, transpose_lhs_hint = false} : vector<64x64xf32>, vector<1024x64xf32>, vector<64x1024xf32> -> vector<64x1024xf32>
    %slice3A_112 = vector.extract_strided_slice %dot_general3A_5 {offsets = [0, 6144], sizes = [64, 1024], strides = [1, 1]} : vector<64x8192xf32> to vector<64x1024xf32>
    %add3A_113 = arith.addf %slice3A_112, %dot_general3A_103 : vector<64x1024xf32>
    %add3A_114 = vector.broadcast %get3A_8 : vector<64x1xf32> to vector<64x1024xf32>
    %add3A_115 = arith.addf %add3A_113, %add3A_114 : vector<64x1024xf32>
    %swap3A_116 = arith.constant 0 : index
    %swap3A_117 = arith.constant 6144 : index
    %swap3A_118 = vector.load %arg5[%swap3A_116, %swap3A_117] : memref<64x8192xf32, #tpu.memory_space<vmem>>, vector<64x1024xf32>
    tpu.vector_store %arg5[%swap3A_116, %swap3A_117], %add3A_115 {strides = array<i32>} : memref<64x8192xf32, #tpu.memory_space<vmem>>, vector<64x1024xf32>,
    %slice3A_119 = vector.extract_strided_slice %dot_general3A_5 {offsets = [0, 7168], sizes = [64, 1024], strides = [1, 1]} : vector<64x8192xf32> to vector<64x1024xf32>
    %add3A_120 = arith.addf %slice3A_119, %dot_general3A_111 : vector<64x1024xf32>
    %add3A_121 = vector.broadcast %get3A_8 : vector<64x1xf32> to vector<64x1024xf32>
    %add3A_122 = arith.addf %add3A_120, %add3A_121 : vector<64x1024xf32>
    %swap3A_123 = arith.constant 0 : index
    %swap3A_124 = arith.constant 7168 : index
    %swap3A_125 = vector.load %arg5[%swap3A_123, %swap3A_124] : memref<64x8192xf32, #tpu.memory_space<vmem>>, vector<64x1024xf32>
    tpu.vector_store %arg5[%swap3A_123, %swap3A_124], %add3A_122 {strides = array<i32>} : memref<64x8192xf32, #tpu.memory_space<vmem>>, vector<64x1024xf32>,
    return
  }
  func.func @transform_0(%arg0: i32) -> (i32, i32) {
    %c0_i32 = arith.constant 0 : i32
    %c0_i32_0 = arith.constant 0 : i32
    return %c0_i32, %arg0 : i32, i32
  }
  func.func @transform_1(%arg0: i32) -> (i32, i32) {
    %c0_i32 = arith.constant 0 : i32
    %c0_i32_0 = arith.constant 0 : i32
    return %arg0, %c0_i32 : i32, i32
  }
  func.func @transform_2(%arg0: i32) -> (i32, i32) {
    %c0_i32 = arith.constant 0 : i32
    %c0_i32_0 = arith.constant 0 : i32
    %c0_i32_1 = arith.constant 0 : i32
    return %c0_i32, %c0_i32_0 : i32, i32
  }
  func.func @transform_3(%arg0: i32) -> (i32, i32) {
    %c0_i32 = arith.constant 0 : i32
    %c0_i32_0 = arith.constant 0 : i32
    %c0_i32_1 = arith.constant 0 : i32
    return %c0_i32, %c0_i32_0 : i32, i32
  }
  func.func @transform_4(%arg0: i32) -> (i32, i32) {
    %c0_i32 = arith.constant 0 : i32
    %c0_i32_0 = arith.constant 0 : i32
    return %c0_i32, %arg0 : i32, i32
  }
}

</mosaic_0001>

<sc_bundles>
// kernel: kernel.4.cloned.1.call-start
scs
__scs_entry_jumppad:
0x0: {  	(pc) =	sbr.rel $0x88, $3  }
0x1: {  	(tag) =	ssettag $0x0;
	lr =	simm.s32 $0x1  }
0x2: {  	[smem:$0x3F9C] =	sst lr;
	_ =	strace $0xD0000000  }
0x3: {  	_ = 	snop  }
0x4: {  	_ = 	snop  }
0x5: {  	_ = 	snop  }
0x6: {  	_ = 	snop  }
0x7: {  	_ = 	snop  }
__scs_overlays_trampoline_lowered:
0x8: {  	[smem:$0x3FAB] =	sst s0  }
0x9: {  	[smem:$0x3FAC] =	sst s1  }
0xa: {  	[smem:$0x3FAD] =	sst s2  }
0xb: {  	[smem:$0x3FAE] =	sst s3  }
0xc: {  	[smem:$0x3FAF] =	sst s4  }
0xd: {  	[smem:$0x3FB0] =	sst s5  }
0xe: {  	[smem:$0x3FB1] =	sst s6  }
0xf: {  	[smem:$0x3FB2] =	sst s7  }
0x10: {  	[smem:$0x3FB3] =	sst s8  }
0x11: {  	[smem:$0x3FB4] =	sst s9;
	s0 =	simm.s32 @!p0 $0x0  }
0x12: {  	s1 =	sld [smem:$0x3F9A];
	s0 =	simm.s32 @p0 $0x1  }
0x13: {  	[smem:$0x3FB5] =	sst s0;
	s0 =	simm.s32 @!p1 $0x0  }
0x14: {  	s2 =	sld [smem:$0x3F99];
	s0 =	simm.s32 @p1 $0x1  }
0x15: {  	[smem:$0x3FB6] =	sst s0;
	s0 =	simm.s32 @!p2 $0x0  }
0x16: {  	s3 =	sld [smem:$0x3FDB];
	s0 =	simm.s32 @p2 $0x1  }
0x17: {  	s4 =	simm.s32 $0x1BF5;
	[smem:$0x3FB8] =	sst s0  }
0x18: {  	s0 =	sld [smem:$0x3F9B];
	_ =	swait.ge [sflag:s4], $0x0  }
0x19: {  	s7 =	sld [smem:$0x3F9C]  }
0x1a: {  	s8 =	sadd.s32 $0xFFFFE003, lr  }
0x1b: {  	s9 =	sadd.s32 $0xFFFFFEF7, lr;
	s5 =	simm.s32 $0xFFFFFFFF;
	p2 =	slt.u32 s8, $0xFFFFF086  }
0x1c: {  	p1 =	slt.u32 s9, $0xF7A;
	s5 =	simm.s32 @!p2 $0x0  }
0x1d: {  	s5 =	simm.s32 @p1 $0x1;
	p0 =	seq.s32 s7, s2  }
0x1e: {  	s7 =	smul.u32 @!p0 $0xF7A, s2;
	p2 =	seq.s32 @!p0 s5, $0x0  }
0x1f: {  	s9 =	smul.u32 $0xF7A, s1;
	s8 =	simm.s32 @!p0 $0x1BF5;
	p2 =	por !p2, p0  }
0x20: {  	[sflag:s8] =	ssyncset.s32 @!p0 $0xFFFFF086;
	s6 =	sadd.s32 @!p0 s3, s7;
	s7 =	simm.s32 @!p0 $0x108  }
0x21: {  	s3 =	sadd.s32 s3, s9;
	s6 =	sadd.s32 @!p0 $0x88, s6;
	s7 =	simm.s32 @p2 $0x1082  }
0x22: {  	[simem:s7], [sflag:s8] =	dma.local @!p0 [hbm:s6], $0xF7A  }
0x23: {  	s9 =	sor.u32 $0xD0000000, s2;
	s6 =	simm.s32 $0x108;
	_ =	swait.ge @!p0 [sflag:s8], $0x0  }
0x24: {  	s3 =	sadd.s32 $0x88, s3;
	s6 =	simm.s32 @!p1 $0x1082;
	[sflag:s4] =	ssyncset.s32 $0xFFFFF086  }
0x25: {  	[simem:s6], [sflag:s4] =	dma.local [hbm:s3], $0xF7A  }
0x26: {  	[smem:$0x3F9C] =	sst s1;
	(tag) =	ssettag s2;
	_ =	strace s9  }
0x27: {  	s1 =	sld [smem:$0x3FAC]  }
0x28: {  	s2 =	sld [smem:$0x3FAD]  }
0x29: {  	s4 =	sld [smem:$0x3FAF]  }
0x2a: {  	p0 =	seq.s32 s5, $0x0;
	s5 =	sld [smem:$0x3FB0]  }
0x2b: {  	s6 =	sld [smem:$0x3FB1]  }
0x2c: {  	s7 =	sld [smem:$0x3FB2]  }
0x2d: {  	s3 =	simm.s32 $0x108;
	s8 =	sld [smem:$0x3FB3]  }
0x2e: {  	s3 =	simm.s32 @!p0 $0x1082;
	s9 =	sld [smem:$0x3FB4]  }
0x2f: {  	lr =	sadd.s32 s0, s3;
	s0 =	sld [smem:$0x3FAB]  }
0x30: {  	s3 =	sld [smem:$0x3FAE]  }
0x31: {  	[smem:$0x3FB7] =	sst s10  }
0x32: {  	s10 =	sld [smem:$0x3FB5];
	_ =	sdelay $0x3  }
0x33: {  	p0 =	seq.s32 s10, $0x1;
	s10 =	sld [smem:$0x3FB7];
	_ =	sdelay $0x3  }
0x34: {  	[smem:$0x3FB7] =	sst s10  }
0x35: {  	s10 =	sld [smem:$0x3FB6];
	_ =	sdelay $0x3  }
0x36: {  	p1 =	seq.s32 s10, $0x1;
	s10 =	sld [smem:$0x3FB7];
	_ =	sdelay $0x3  }
0x37: {  	[smem:$0x3FB7] =	sst s10  }
0x38: {  	s10 =	sld [smem:$0x3FB8]  }
0x39: {  	_ = 	snop;
	(pc) =	sbr.ind lr, $3  }
0x3a: {  	_ = 	snop  }
0x3b: {  	_ = 	snop  }
0x3c: {  	p2 =	seq.s32 s10, $0x1;
	s10 =	sld [smem:$0x3FB7]  }
0x3d: {  	_ =	shalt  }
0x3e: {  	_ =	shalt  }
0x3f: {  	_ =	shalt  }
0x40: {  	_ =	shalt  }
0x41: {  	_ =	shalt  }
0x42: {  	_ =	shalt  }
0x43: {  	_ =	shalt  }
0x44: {  	_ =	shalt  }
0x45: {  	_ =	shalt  }
0x46: {  	_ =	shalt  }
0x47: {  	_ =	shalt  }
0x48: {  	_ =	shalt  }
0x49: {  	_ =	shalt  }
0x4a: {  	_ =	shalt  }
0x4b: {  	_ =	shalt  }
0x4c: {  	_ =	shalt  }
0x4d: {  	_ =	shalt  }
0x4e: {  	_ =	shalt  }
0x4f: {  	_ =	shalt  }
0x50: {  	_ =	shalt  }
0x51: {  	_ =	shalt  }
0x52: {  	_ =	shalt  }
0x53: {  	_ =	shalt  }
0x54: {  	_ =	shalt  }
0x55: {  	_ =	shalt  }
0x56: {  	_ =	shalt  }
0x57: {  	_ =	shalt  }
0x58: {  	_ =	shalt  }
0x59: {  	_ =	shalt  }
0x5a: {  	_ =	shalt  }
0x5b: {  	_ =	shalt  }
0x5c: {  	_ =	shalt  }
0x5d: {  	_ =	shalt  }
0x5e: {  	_ =	shalt  }
0x5f: {  	_ =	shalt  }
0x60: {  	_ =	shalt  }
0x61: {  	_ =	shalt  }
0x62: {  	_ =	shalt  }
0x63: {  	_ =	shalt  }
0x64: {  	_ =	shalt  }
0x65: {  	_ =	shalt  }
0x66: {  	_ =	shalt  }
0x67: {  	_ =	shalt  }
0x68: {  	_ =	shalt  }
0x69: {  	_ =	shalt  }
0x6a: {  	_ =	shalt  }
0x6b: {  	_ =	shalt  }
0x6c: {  	_ =	shalt  }
0x6d: {  	_ =	shalt  }
0x6e: {  	_ =	shalt  }
0x6f: {  	_ =	shalt  }
0x70: {  	_ =	shalt  }
0x71: {  	_ =	shalt  }
0x72: {  	_ =	shalt  }
0x73: {  	_ =	shalt  }
0x74: {  	_ =	shalt  }
0x75: {  	_ =	shalt  }
0x76: {  	_ =	shalt  }
0x77: {  	_ =	shalt  }
0x78: {  	_ =	shalt  }
0x79: {  	_ =	shalt  }
0x7a: {  	_ =	shalt  }
0x7b: {  	_ =	shalt  }
0x7c: {  	_ =	shalt  }
0x7d: {  	_ =	shalt  }
0x7e: {  	_ =	shalt  }
0x7f: {  	_ =	shalt  }
0x80: {  	_ =	shalt  }
0x81: {  	_ =	shalt  }
0x82: {  	_ =	shalt  }
0x83: {  	_ =	shalt  }
0x84: {  	_ =	shalt  }
0x85: {  	_ =	shalt  }
0x86: {  	_ =	shalt  }
0x87: {  	_ =	shalt  }
.Lfunc_end0:
.L_simem_size_0:
called_computation_lowered:
.L_overlay_start_0:
0x88: {  	s0 =	sld [smem:$0x3FD9]  }
0x89: {  	s1 =	sld [smem:$0x3FFE];
	_ =	sdelay $0x3  }
0x8a: {  	s0 =	sadd.s32 s1, s0  }
0x8b: {  	[smem:$0x3FC3] =	sst s0  }
0x8c: {  	_ = 	snop  }
0x8d: {  	s0 =	sld [smem:$0x3FC8]  }
0x8e: {  	s16 =	sld [smem:$0x3FD0];
	(tm) =	ssettm $0x1  }
0x8f: {  	s2 =	sld [smem:$0x3FFB];
	_ =	sdelay $0x3  }
0x90: {  	_ =	strace s2  }
0x91: {  	s2 =	sld [smem:$0x3FFC];
	_ =	sdelay $0x3  }
0x92: {  	_ =	strace s2  }
0x93: {  	s2 =	sld [smem:$0x3FFD];
	_ =	sdelay $0x3  }
0x94: {  	_ =	strace s2  }
0x95: {  	_ =	strace $0x8FFFFFFF  }
0x96: {  	s17 =	sld [smem:$0x3FDB];
	_ =	sdelay $0x1  }
0x97: {  	s3 =	simm.s32 $_scs_section_size  }
0x98: {  	s4 =	simm.s32 $_size__tile_overlayer_lowered;
	s5 =	simm.s32 $_tile_overlayer_lowered  }
0x99: {  	s20 =	simm.s32 $0x1BFF;
	s19 =	sshll.u32 s5, $0x1;
	s2 =	sadd.s32 s3, s17  }
0x9a: {  	s6 =	simm.s32 $0x0;
	s18 =	sshll.u32 s4, $0x1;
	s4 =	sadd.s32 s19, s2  }
0x9b: {  	[timem:s6], [sflag:s20] =	dma.local [hbm:s4], s18  }
0x9c: {  	_ =	swait.ge [sflag:s20], s18  }
0x9d: {  	s3 =	ssub.s32 $0x0, s18;
	[sflag:s20] =	ssyncset.done $0x0  }
0x9e: {  	[sflag:s20] =	ssyncadd.s32 s3;
	_ =	sdelay $0x1  }
0x9f: {  	s21 =	simm.s32 $0x1B8B  }
0xa0: {  	_ =	swait.ge [sflag:s21], $0x1  }
0xa1: {  	[sflag:s21] =	ssyncset.done $0x0  }
0xa2: {  	s23 =	simm.s32 $0x1B8E;
	s22 =	sld [smem:$0x3FFE];
	[sflag:s21] =	ssyncadd.s32 $0xFFFFFFFF  }
0xa3: {  	s24 =	simm.s32 $execute0_lowered;
	[smem:$0x3FD2] =	sst s23  }
0xa4: {  	s4 =	sshll.u32 s24, $0x1;
	_ =	strace $0x80000046;
	[dreg:$0x1] =	wrdreg $0xFFFFFFFF  }
0xa5: {  	s25 =	simm.s32 $_size_execute0_lowered;
	s2 =	sadd.s32 s2, s4;
	[dreg:$0x0] =	wrdreg $0x0  }
0xa6: {  	s4 =	sshll.u32 s25, $0x1;
	[dreg:$0x2] =	wrdreg s2  }
0xa7: {  	[dreg:$0x3] =	wrdreg s4  }
0xa8: {  	[dreg:$0x4] =	wrdreg $0xC0  }
0xa9: {  	_ =	task [dreg:s6], $0x5FFFF  }
0xaa: {  	[dreg:$0x1] =	wrdreg $0xFFFFFFFF  }
0xab: {  	[dreg:$0x0] =	wrdreg $0x60  }
0xac: {  	[dreg:$0x2] =	wrdreg s22  }
0xad: {  	[dreg:$0x3] =	wrdreg s0  }
0xae: {  	[dreg:$0x4] =	wrdreg s16  }
0xaf: {  	[dreg:$0x5] =	wrdreg $0x9  }
0xb0: {  	_ =	task.clear_ibuf [dreg:s6], $0x6FFFF;
	_ =	strace $0x90000046  }
0xb1: {  	s26 =	simm.s32 $0x9;
	_ =	strace $0x80000048  }
0xb2: {  	_ =	swait.ge [sflag:s26], $0x1  }
0xb3: {  	[sflag:s26] =	ssyncadd.s32 $0xFFFFFFFF  }
0xb4: {  	_ =	strace $0x90000048  }
0xb5: {  	_ =	sfence  }
0xb6: {  	s28 =	sld [smem:$0x0];
	_ =	sdelay $0x1  }
0xb7: {  	s29 =	srdreg.scid  }
0xb8: {  	s30 =	sshll.u32 s29, $0xD;
	s31 =	sshrl.u32 s29, $0x2  }
0xb9: {  	s1 =	sand.u32 $0x1, s29;
	s2 =	sand.u32 $0x4000, s30;
	s0 =	sadd.s32 s31, s28  }
0xba: {  	s1 =	sor.u32 s2, s1;
	s0 =	sshll.u32 s0, $0x11  }
0xbb: {  	s0 =	sor.u32 s0, s1  }
0xbc: {  	s0 =	sadd.s32 $0x8F2B, s0  }
0xbd: {  	[sflag:s0] =	ssyncadd.remote.s32 $0x1  }
0xbe: {  	_ =	sfence.sel $0xFFFF  }
0xbf: {  	[dreg:$0x0] =	wrdreg $0xFFFFFFFF;
	(pc) =	sbr.abs _section_cstart, $3  }
0xc0: {  	[dreg:$0x1] =	wrdreg $0xFFFFFFFF  }
0xc1: {  	_ =	task.clear_ibuf [dreg:s6], $0x2FFFF;
	_ =	strace $0x9FFFFFFF  }
0xc2: {  	(tm) =	ssettm $0x7FFFFFFF  }
0xc3: {  	_ =	shalt  }
tec
execute0_lowered:
.L_overlay_start_1:
0x0: {  	(tag) =	ssettag $0x1  }
0x1: {  	s4 =	rddreg [dreg:$0x0]  }
0x2: {  	s2 =	rddreg [dreg:$0x1]  }
0x3: {  	s3 =	rddreg [dreg:$0x2];
	s5 =	simm.s32 $0x0;
	s1 =	stileid.u32  }
0x4: {  	[smem:$0x7FF] =	sst s5;
	s6 =	sshll.u32 s1, $0x7  }
0x5: {  	s0 =	rddreg [dreg:$0x3];
	_ =	strace $0x80000047;
	s6 =	sadd.s32 s2, s6  }
0x6: {  	[tilespmem:s5], [sflag:$0x1] =	stream.linear.gather [hbm4b:s6+s5], $0x80, $0x38;
	[tilespmem:$0x10400] =	vst v63  }
0x7: {  	s31 =	simm.s32 $0x80;
	s7 =	sadd.s32 $0x10, s6  }
0x8: {  	[tilespmem:s31], [sflag:$0x1] =	stream.linear.gather [hbm4b:s7+s5], $0x80, $0x38;
	[tilespmem:$0x10400] =	vst v63  }
0x9: {  	s8 =	simm.s32 $0x100;
	s12 =	sadd.s32 $0x20, s6  }
0xa: {  	[tilespmem:s8], [sflag:$0x1] =	stream.linear.gather [hbm4b:s12+s5], $0x80, $0x38;
	[tilespmem:$0x10400] =	vst v63  }
0xb: {  	s9 =	simm.s32 $0x180;
	s13 =	sadd.s32 $0x30, s6  }
0xc: {  	[tilespmem:s9], [sflag:$0x1] =	stream.linear.gather [hbm4b:s13+s5], $0x80, $0x38;
	[tilespmem:$0x10400] =	vst v63  }
0xd: {  	s10 =	simm.s32 $0x200;
	s14 =	sadd.s32 $0x40, s6  }
0xe: {  	[tilespmem:s10], [sflag:$0x1] =	stream.linear.gather [hbm4b:s14+s5], $0x80, $0x38;
	[tilespmem:$0x10400] =	vst v63  }
0xf: {  	s11 =	simm.s32 $0x280;
	s15 =	sadd.s32 $0x50, s6  }
0x10: {  	[tilespmem:s11], [sflag:$0x1] =	stream.linear.gather [hbm4b:s15+s5], $0x80, $0x38;
	[tilespmem:$0x10400] =	vst v63  }
0x11: {  	s16 =	sadd.s32 $0x60, s6;
	s12 =	simm.s32 $0x300  }
0x12: {  	[tilespmem:s12], [sflag:$0x1] =	stream.linear.gather [hbm4b:s16+s5], $0x80, $0x38;
	[tilespmem:$0x10400] =	vst v63  }
0x13: {  	s17 =	simm.s32 $0x380;
	s18 =	simm.s32 $0x1;
	s6 =	sadd.s32 $0x70, s6  }
0x14: {  	[tilespmem:s17], [sflag:$0x1] =	stream.linear.gather [hbm4b:s6+s5], $0x80, $0x38;
	[tilespmem:$0x10400] =	vst v63  }
0x15: {  	_ =	swait.ge [sflag:s18], $0x80  }
0x16: {  	[sflag:s18] =	ssyncset.done $0x0  }
0x17: {  	s4 =	sadd.s32 $0xC00, s4;
	s13 =	simm.s32 $0x400;
	[sflag:s18] =	ssyncadd.s32 $0xFFFFFF80  }
0x18: {  	[tilespmem:s13], [sflag:$0x2] =	stream.indirect.gather [hbm4b:s4+s31], $0x40, s5, s31, $0xb8;
	[tilespmem:$0x10400] =	vst v63  }
0x19: {  	_ =	swait.ge [sflag:s18], $0x80  }
0x1a: {  	[sflag:s18] =	ssyncset.done $0x0  }
0x1b: {  	s19 =	simm.s32 $0x2400;
	[sflag:s18] =	ssyncadd.s32 $0xFFFFFF80  }
0x1c: {  	[tilespmem:s19], [sflag:$0x2] =	stream.indirect.gather [hbm4b:s4+s31], $0x40, s31, s31, $0xb8;
	[tilespmem:$0x10400] =	vst v63  }
0x1d: {  	_ =	swait.ge [sflag:s18], $0x80  }
0x1e: {  	[sflag:s18] =	ssyncset.done $0x0  }
0x1f: {  	s20 =	simm.s32 $0x4400;
	[sflag:s18] =	ssyncadd.s32 $0xFFFFFF80  }
0x20: {  	[tilespmem:s20], [sflag:$0x2] =	stream.indirect.gather [hbm4b:s4+s31], $0x40, s8, s31, $0xb8;
	[tilespmem:$0x10400] =	vst v63  }
0x21: {  	_ =	swait.ge [sflag:s18], $0x80  }
0x22: {  	[sflag:s18] =	ssyncset.done $0x0  }
0x23: {  	s21 =	simm.s32 $0x6400;
	[sflag:s18] =	ssyncadd.s32 $0xFFFFFF80  }
0x24: {  	[tilespmem:s21], [sflag:$0x2] =	stream.indirect.gather [hbm4b:s4+s31], $0x40, s9, s31, $0xb8;
	[tilespmem:$0x10400] =	vst v63  }
0x25: {  	_ =	swait.ge [sflag:s18], $0x80  }
0x26: {  	[sflag:s18] =	ssyncset.done $0x0  }
0x27: {  	s22 =	simm.s32 $0x8400;
	[sflag:s18] =	ssyncadd.s32 $0xFFFFFF80  }
0x28: {  	[tilespmem:s22], [sflag:$0x2] =	stream.indirect.gather [hbm4b:s4+s31], $0x40, s10, s31, $0xb8;
	[tilespmem:$0x10400] =	vst v63  }
0x29: {  	_ =	swait.ge [sflag:s18], $0x80  }
0x2a: {  	[sflag:s18] =	ssyncset.done $0x0  }
0x2b: {  	s23 =	simm.s32 $0xA400;
	[sflag:s18] =	ssyncadd.s32 $0xFFFFFF80  }
0x2c: {  	[tilespmem:s23], [sflag:$0x2] =	stream.indirect.gather [hbm4b:s4+s31], $0x40, s11, s31, $0xb8;
	[tilespmem:$0x10400] =	vst v63  }
0x2d: {  	_ =	swait.ge [sflag:s18], $0x80  }
0x2e: {  	[sflag:s18] =	ssyncset.done $0x0  }
0x2f: {  	s24 =	simm.s32 $0xC400;
	[sflag:s18] =	ssyncadd.s32 $0xFFFFFF80  }
0x30: {  	[tilespmem:s24], [sflag:$0x2] =	stream.indirect.gather [hbm4b:s4+s31], $0x40, s12, s31, $0xb8;
	[tilespmem:$0x10400] =	vst v63  }
0x31: {  	_ =	swait.ge [sflag:s18], $0x80  }
0x32: {  	[sflag:s18] =	ssyncset.done $0x0  }
0x33: {  	s25 =	simm.s32 $0xE400;
	s26 =	simm.s32 $0x2;
	[sflag:s18] =	ssyncadd.s32 $0xFFFFFF80  }
0x34: {  	[tilespmem:s25], [sflag:$0x2] =	stream.indirect.gather [hbm4b:s4+s31], $0x40, s17, s31, $0xb8;
	[tilespmem:$0x10400] =	vst v63  }
0x35: {  	_ =	swait.ge [sflag:s26], $0x2000  }
0x36: {  	[sflag:s26] =	ssyncset.done $0x0  }
0x37: {  	[sflag:s26] =	ssyncadd.s32 $0xFFFFE000  }
0x38: {  	_ =	swait.ge [sflag:s26], $0x2000  }
0x39: {  	[sflag:s26] =	ssyncset.done $0x0  }
0x3a: {  	[sflag:s26] =	ssyncadd.s32 $0xFFFFE000  }
0x3b: {  	_ =	swait.ge [sflag:s26], $0x2000  }
0x3c: {  	[sflag:s26] =	ssyncset.done $0x0  }
0x3d: {  	s28 =	sshll.u32 s1, $0xD;
	s29 =	sshll.u32 s1, $0x3;
	[sflag:s26] =	ssyncadd.s32 $0xFFFFE000  }
0x3e: {  	s6 =	sor.u32 s29, s28;
	_ =	swait.ge [sflag:s26], $0x2000  }
0x3f: {  	s6 =	sand.u32 $0x1C008, s6;
	[sflag:s26] =	ssyncset.done $0x0  }
0x40: {  	s30 =	simm.s32 $0x40;
	s3 =	sadd.s32 s3, s6;
	[sflag:s26] =	ssyncadd.s32 $0xFFFFE000  }
0x41: {  	[hbm4b:s3+s30] =	stream.strided.scatter [tilespmem:s13], [sflag:$0x3], $0x8000, s31, s30, $0x38;
	[tilespmem:$0x10400] =	vst v63  }
0x42: {  	_ =	swait.ge [sflag:s26], $0x2000  }
0x43: {  	[sflag:s26] =	ssyncset.done $0x0  }
0x44: {  	[sflag:s26] =	ssyncadd.s32 $0xFFFFE000  }
0x45: {  	_ =	swait.ge [sflag:s26], $0x2000  }
0x46: {  	[sflag:s26] =	ssyncset.done $0x0  }
0x47: {  	[sflag:s26] =	ssyncadd.s32 $0xFFFFE000  }
0x48: {  	_ =	swait.ge [sflag:s26], $0x2000  }
0x49: {  	[sflag:s26] =	ssyncset.done $0x0  }
0x4a: {  	[sflag:s26] =	ssyncadd.s32 $0xFFFFE000  }
0x4b: {  	_ =	swait.ge [sflag:s26], $0x2000  }
0x4c: {  	[sflag:s26] =	ssyncset.done $0x0  }
0x4d: {  	s3 =	sadd.s32 $0x2000, s3;
	[sflag:s26] =	ssyncadd.s32 $0xFFFFE000  }
0x4e: {  	[hbm4b:s3+s30] =	stream.strided.scatter [tilespmem:s22], [sflag:$0x3], $0x8000, s31, s30, $0x38;
	[tilespmem:$0x10400] =	vst v63  }
0x4f: {  	s31 =	simm.s32 $0x3  }
0x50: {  	_ =	swait.ge [sflag:s31], $0x8000  }
0x51: {  	[sflag:s31] =	ssyncset.done $0x0  }
0x52: {  	[sflag:s31] =	ssyncadd.s32 $0xFFFF8000  }
0x53: {  	_ =	swait.ge [sflag:s31], $0x8000  }
0x54: {  	[sflag:s31] =	ssyncset.done $0x0  }
0x55: {  	[sflag:s31] =	ssyncadd.s32 $0xFFFF8000  }
0x56: {  	_ =	sfence.sel $0x180000  }
0x57: {  	[bflag:$0x0] =	sbarrier.arrive $0xFFFF  }
0x58: {  	p0 =	sne.s32 s1, $0x0;
	_ =	strace $0x90000047  }
0x59: {  	s0 =	sadd.s32 @!p0 $0x100000, s0;
	[bflag:$0x2] =	sbarrier.arrive $0xFFFF  }
0x5a: {  	[sflag:s0] =	ssyncadd.tile.s32 @!p0 $0x1;
	_ =	shalt  }
.Lfunc_end2:
_tile_overlayer_lowered:
.L_overlay_start_2:
0x5b: {  	(tag) =	ssettag $0x2  }
0x5c: {  	s0 =	rddreg [dreg:$0x0];
	s2 =	stileid.u32  }
0x5d: {  	s1 =	rddreg [dreg:$0x1];
	p0 =	sne.s32 s2, $0x0  }
0x5e: {  	s3 =	rddreg [dreg:$0x2];
	[bflag:$0x3] =	sbarrier.arrive $0xFFFF;
	s2 =	simm.s32 @!p0 $0x1C04  }
0x5f: {  	[timem:s3], [sflag:s2] =	dma.local @!p0 [hbm:s0], s1  }
0x60: {  	s0 =	simm.s32 @!p0 $0x4  }
0x61: {  	_ =	swait.ge @!p0 [sflag:s0], s1  }
0x62: {  	s1 =	ssub.s32 @!p0 $0x0, s1;
	[sflag:s0] =	ssyncset.done @!p0 $0x0  }
0x63: {  	[sflag:s0] =	ssyncadd.s32 @!p0 s1  }
0x64: {  	[bflag:$0x3] =	sbarrier.arrive $0xFFFF  }
0x65: {  	_ =	shalt  }

</sc_bundles>
